<compile_context>
chip_gen: v7x
topology: tpu7x:2x2x1
jax: 0.10.2.dev20260603
libtpu: 0.0.44.dev20260713+nightly
codegen_flags: <defaults>
</compile_context>

<pallas_src>
import jax
import jax.numpy as jnp
from jax import lax
from jax.experimental import pallas as pl
from jax.experimental.pallas import tpu as pltpu
from jax.experimental.pallas import tpu_sc as plsc

F = 16
B = 16384
NW = 32
BPW = B // NW
CHUNK = 128
NCHUNK = BPW // CHUNK
GROUPS = BPW // F


def _body(users, pos_items, neg_items, ue, ie, ub, ib, out,
          idx_u, idx_p, idx_n, rows_u, rows_p, rows_n, bu, bp, bn, out_v,
          sem):
  wid = lax.axis_index("c") * 16 + lax.axis_index("s")
  base = wid * BPW

  pltpu.sync_copy(users.at[pl.ds(base, BPW)], idx_u)
  pltpu.sync_copy(pos_items.at[pl.ds(base, BPW)], idx_p)
  pltpu.sync_copy(neg_items.at[pl.ds(base, BPW)], idx_n)

  copies = []
  for idx, table, dst in ((idx_u, ue, rows_u), (idx_p, ie, rows_p),
                          (idx_n, ie, rows_n), (idx_u, ub, bu),
                          (idx_p, ib, bp), (idx_n, ib, bn)):
    for j in range(NCHUNK):
      sl = pl.ds(j * CHUNK, CHUNK)
      copies.append(pltpu.async_copy(table.at[idx.at[sl]], dst.at[sl], sem))
  for c in copies:
    c.wait()

  lanes = lax.iota(jnp.int32, F)

  def group(g, carry):
    bidx = g * F + lanes
    acc = bu[pl.ds(g * F, F)] + bp[pl.ds(g * F, F)] - bn[pl.ds(g * F, F)]
    for f in range(F):
      fvec = jnp.full((F,), f, jnp.int32)
      u = plsc.load_gather(rows_u, [bidx, fvec])
      p = plsc.load_gather(rows_p, [bidx, fvec])
      n = plsc.load_gather(rows_n, [bidx, fvec])
      acc = acc + u * (p - n)
    out_v[pl.ds(g * F, F)] = acc
    return carry

  lax.fori_loop(0, GROUPS, group, 0)
  pltpu.sync_copy(out_v, out.at[pl.ds(base, BPW)])


@jax.jit
def kernel(users, pos_items, neg_items, user_embeddings, item_embeddings,
           user_biases, item_biases):
  mesh = plsc.VectorSubcoreMesh(core_axis_name="c", subcore_axis_name="s")
  run = pl.kernel(
      _body,
      out_type=jax.ShapeDtypeStruct((B,), jnp.float32),
      mesh=mesh,
      scratch_types=[
          pltpu.VMEM((BPW,), jnp.int32),
          pltpu.VMEM((BPW,), jnp.int32),
          pltpu.VMEM((BPW,), jnp.int32),
          pltpu.VMEM((BPW, F), jnp.float32),
          pltpu.VMEM((BPW, F), jnp.float32),
          pltpu.VMEM((BPW, F), jnp.float32),
          pltpu.VMEM((BPW,), jnp.float32),
          pltpu.VMEM((BPW,), jnp.float32),
          pltpu.VMEM((BPW,), jnp.float32),
          pltpu.VMEM((BPW,), jnp.float32),
          pltpu.SemaphoreType.DMA,
      ],
      compiler_params=pltpu.CompilerParams(needs_layout_passes=False,
                                           use_tc_tiling_on_sc=False),
  )
  return run(users.astype(jnp.int32), pos_items.astype(jnp.int32),
             neg_items.astype(jnp.int32), user_embeddings, item_embeddings,
             user_biases.reshape(-1), item_biases.reshape(-1))

# --- scband reference (transcript-rebuilt; emitter-appended) ---
"""Pipeline reference for scband-bprmodule-11922829214048 (READ-ONLY COPY).

The authoritative reference and input builder live on the scoring server;
editing this copy changes nothing except your own understanding.
"""

import jax, jax.numpy as jnp
import numpy as np

N_USERS = 1000000
N_ITEMS = 1000000
N_FACTORS = 16
BATCH = 16384


def setup_inputs(seed: int = 0) -> dict:
    key = jax.random.key(seed)
    k1, k2, k3, k4, k5, k6, k7 = jax.random.split(key, 7)
    users = jax.random.randint(k1, (BATCH,), 0, N_USERS, dtype=jnp.int64 if jax.config.read('jax_enable_x64') else jnp.int32)
    pos_items = jax.random.randint(k2, (BATCH,), 0, N_ITEMS, dtype=users.dtype)
    neg_items = jax.random.randint(k3, (BATCH,), 0, N_ITEMS, dtype=users.dtype)
    # nn.Embedding default init: N(0, 1)
    user_embeddings = jax.random.normal(k4, (N_USERS, N_FACTORS), dtype=jnp.float32)
    item_embeddings = jax.random.normal(k5, (N_ITEMS, N_FACTORS), dtype=jnp.float32)
    user_biases = jax.random.normal(k6, (N_USERS, 1), dtype=jnp.float32)
    item_biases = jax.random.normal(k7, (N_ITEMS, 1), dtype=jnp.float32)
    return {
        'users': users,
        'pos_items': pos_items,
        'neg_items': neg_items,
        'user_embeddings': user_embeddings,
        'item_embeddings': item_embeddings,
        'user_biases': user_biases,
        'item_biases': item_biases,
    }


def reference(users, pos_items, neg_items, user_embeddings, item_embeddings, user_biases, item_biases):
    # BPRModule.forward (dropout_p=0 -> dropout is identity)
    ues = jnp.take(user_embeddings, users, axis=0)                    # [B, F]
    uis = jnp.take(item_embeddings, pos_items, axis=0) - jnp.take(item_embeddings, neg_items, axis=0)  # [B, F]
    preds = (ues * uis).sum(axis=1)                                   # [B]
    preds = preds + jnp.take(user_biases, users, axis=0)[:, 0]
    preds = preds + jnp.take(item_biases, pos_items, axis=0)[:, 0]
    preds = preds - jnp.take(item_biases, neg_items, axis=0)[:, 0]
    return preds

if __name__ == "__main__":
    import jax
    _d = setup_inputs()
    print(jax.jit(kernel)(*tuple(_d.values())))

</pallas_src>

<mosaic_0001>
#map = affine_map<(d0, d1) -> (0)>
#map1 = affine_map<(d0, d1) -> (0, 0)>
module attributes {stable_mosaic.version = 14 : i64} {
  func.func @_body(%arg0: i32, %arg1: i32, %arg2: memref<16384xi32, #tpu.memory_space<hbm>>, %arg3: memref<16384xi32, #tpu.memory_space<hbm>>, %arg4: memref<16384xi32, #tpu.memory_space<hbm>>, %arg5: memref<1000000x16xf32, #tpu.memory_space<hbm>>, %arg6: memref<1000000x16xf32, #tpu.memory_space<hbm>>, %arg7: memref<1000000xf32, #tpu.memory_space<hbm>>, %arg8: memref<1000000xf32, #tpu.memory_space<hbm>>, %arg9: memref<16384xf32, #tpu.memory_space<hbm>>, %arg10: memref<512xi32, #tpu.memory_space<vmem>>, %arg11: memref<512xi32, #tpu.memory_space<vmem>>, %arg12: memref<512xi32, #tpu.memory_space<vmem>>, %arg13: memref<512x16xf32, #tpu.memory_space<vmem>>, %arg14: memref<512x16xf32, #tpu.memory_space<vmem>>, %arg15: memref<512x16xf32, #tpu.memory_space<vmem>>, %arg16: memref<512xf32, #tpu.memory_space<vmem>>, %arg17: memref<512xf32, #tpu.memory_space<vmem>>, %arg18: memref<512xf32, #tpu.memory_space<vmem>>, %arg19: memref<512xf32, #tpu.memory_space<vmem>>, %arg20: memref<!tpu.dma_semaphore, #tpu.memory_space<semaphore_mem>>) attributes {dimension_semantics = [#tpu.dimension_semantics<core_parallel>, #tpu.dimension_semantics<subcore_parallel>], iteration_bounds = array<i64: 2, 16>, scalar_prefetch = 0 : i64, scratch_operands = 11 : i64, tpu.core_type = #tpu.core_type<sc_vector_subcore>, window_params = [{transform_indices = #map}, {transform_indices = #map}, {transform_indices = #map}, {transform_indices = #map1}, {transform_indices = #map1}, {transform_indices = #map}, {transform_indices = #map}, {transform_indices = #map}]} {
    %mul3A = arith.constant 16 : i32
    %mul3A_0 = arith.muli %arg0, %mul3A : i32
    %add3A = arith.addi %mul3A_0, %arg1 : i32
    %mul3A_1 = arith.constant 512 : i32
    %mul3A_2 = arith.muli %add3A, %mul3A_1 : i32
    "tpu.region"() ({
      %run_scoped3A = tpu.sem_alloc : memref<!tpu.dma_semaphore, #tpu.memory_space<semaphore_mem>>
      %dma_start3A_342 = tpu.memref_slice %arg2[%mul3A_2] : memref<16384xi32, #tpu.memory_space<hbm>> -> memref<512xi32, #tpu.memory_space<hbm>>
      %dma_start3A_343 = tpu.memref_slice %arg2[%mul3A_2] : memref<16384xi32, #tpu.memory_space<hbm>> -> memref<512xi32, #tpu.memory_space<hbm>>
      tpu.enqueue_dma source(%dma_start3A_343 : memref<512xi32, #tpu.memory_space<hbm>>) target(%arg10 : memref<512xi32, #tpu.memory_space<vmem>>) target_semaphore(%run_scoped3A : memref<!tpu.dma_semaphore, #tpu.memory_space<semaphore_mem>>)
      %dma_wait3A_344 = tpu.memref_slice %arg2[%mul3A_2] : memref<16384xi32, #tpu.memory_space<hbm>> -> memref<512xi32, #tpu.memory_space<hbm>>
      %dma_wait3A_345 = tpu.memref_slice %arg2[%mul3A_2] : memref<16384xi32, #tpu.memory_space<hbm>> -> memref<512xi32, #tpu.memory_space<hbm>>
      tpu.wait_dma2 semaphore(%run_scoped3A : memref<!tpu.dma_semaphore, #tpu.memory_space<semaphore_mem>>) src(%dma_wait3A_345 : memref<512xi32, #tpu.memory_space<hbm>>) dst(%arg10 : memref<512xi32, #tpu.memory_space<vmem>>)
      tpu.yield
    }) : () -> ()
    "tpu.region"() ({
      %run_scoped3A = tpu.sem_alloc : memref<!tpu.dma_semaphore, #tpu.memory_space<semaphore_mem>>
      %dma_start3A_342 = tpu.memref_slice %arg3[%mul3A_2] : memref<16384xi32, #tpu.memory_space<hbm>> -> memref<512xi32, #tpu.memory_space<hbm>>
      %dma_start3A_343 = tpu.memref_slice %arg3[%mul3A_2] : memref<16384xi32, #tpu.memory_space<hbm>> -> memref<512xi32, #tpu.memory_space<hbm>>
      tpu.enqueue_dma source(%dma_start3A_343 : memref<512xi32, #tpu.memory_space<hbm>>) target(%arg11 : memref<512xi32, #tpu.memory_space<vmem>>) target_semaphore(%run_scoped3A : memref<!tpu.dma_semaphore, #tpu.memory_space<semaphore_mem>>)
      %dma_wait3A_344 = tpu.memref_slice %arg3[%mul3A_2] : memref<16384xi32, #tpu.memory_space<hbm>> -> memref<512xi32, #tpu.memory_space<hbm>>
      %dma_wait3A_345 = tpu.memref_slice %arg3[%mul3A_2] : memref<16384xi32, #tpu.memory_space<hbm>> -> memref<512xi32, #tpu.memory_space<hbm>>
      tpu.wait_dma2 semaphore(%run_scoped3A : memref<!tpu.dma_semaphore, #tpu.memory_space<semaphore_mem>>) src(%dma_wait3A_345 : memref<512xi32, #tpu.memory_space<hbm>>) dst(%arg11 : memref<512xi32, #tpu.memory_space<vmem>>)
      tpu.yield
    }) : () -> ()
    "tpu.region"() ({
      %run_scoped3A = tpu.sem_alloc : memref<!tpu.dma_semaphore, #tpu.memory_space<semaphore_mem>>
      %dma_start3A_342 = tpu.memref_slice %arg4[%mul3A_2] : memref<16384xi32, #tpu.memory_space<hbm>> -> memref<512xi32, #tpu.memory_space<hbm>>
      %dma_start3A_343 = tpu.memref_slice %arg4[%mul3A_2] : memref<16384xi32, #tpu.memory_space<hbm>> -> memref<512xi32, #tpu.memory_space<hbm>>
      tpu.enqueue_dma source(%dma_start3A_343 : memref<512xi32, #tpu.memory_space<hbm>>) target(%arg12 : memref<512xi32, #tpu.memory_space<vmem>>) target_semaphore(%run_scoped3A : memref<!tpu.dma_semaphore, #tpu.memory_space<semaphore_mem>>)
      %dma_wait3A_344 = tpu.memref_slice %arg4[%mul3A_2] : memref<16384xi32, #tpu.memory_space<hbm>> -> memref<512xi32, #tpu.memory_space<hbm>>
      %dma_wait3A_345 = tpu.memref_slice %arg4[%mul3A_2] : memref<16384xi32, #tpu.memory_space<hbm>> -> memref<512xi32, #tpu.memory_space<hbm>>
      tpu.wait_dma2 semaphore(%run_scoped3A : memref<!tpu.dma_semaphore, #tpu.memory_space<semaphore_mem>>) src(%dma_wait3A_345 : memref<512xi32, #tpu.memory_space<hbm>>) dst(%arg12 : memref<512xi32, #tpu.memory_space<vmem>>)
      tpu.yield
    }) : () -> ()
    %dma_start3A = arith.constant 0 : i32
    %dma_start3A_3 = arith.constant 0 : i32
    %dma_start3A_4 = tpu.memref_slice %arg13[%dma_start3A, %dma_start3A_3] : memref<512x16xf32, #tpu.memory_space<vmem>> -> memref<128x16xf32, #tpu.memory_space<vmem>>
    %dma_start3A_5 = arith.constant 0 : i32
    %dma_start3A_6 = tpu.memref_slice %arg10[%dma_start3A_5] : memref<512xi32, #tpu.memory_space<vmem>> -> memref<128xi32, #tpu.memory_space<vmem>>
    %dma_start3A_7 = arith.constant 0 : i32
    %dma_start3A_8 = arith.constant 0 : i32
    %dma_start3A_9 = tpu.memref_slice %arg5[%dma_start3A_7, %dma_start3A_8] : memref<1000000x16xf32, #tpu.memory_space<hbm>> -> memref<1000000x16xf32, #tpu.memory_space<hbm>>
    tpu.enqueue_indirect_dma source(%dma_start3A_9 : memref<1000000x16xf32, #tpu.memory_space<hbm>>) target(%dma_start3A_4 : memref<128x16xf32, #tpu.memory_space<vmem>>) offsets(%dma_start3A_6 : memref<128xi32, #tpu.memory_space<vmem>>) semaphore(%arg20 : memref<!tpu.dma_semaphore, #tpu.memory_space<semaphore_mem>>)
    %dma_start3A_10 = arith.constant 128 : i32
    %dma_start3A_11 = arith.constant 0 : i32
    %dma_start3A_12 = tpu.memref_slice %arg13[%dma_start3A_10, %dma_start3A_11] : memref<512x16xf32, #tpu.memory_space<vmem>> -> memref<128x16xf32, #tpu.memory_space<vmem>>
    %dma_start3A_13 = arith.constant 128 : i32
    %dma_start3A_14 = tpu.memref_slice %arg10[%dma_start3A_13] : memref<512xi32, #tpu.memory_space<vmem>> -> memref<128xi32, #tpu.memory_space<vmem>>
    %dma_start3A_15 = arith.constant 0 : i32
    %dma_start3A_16 = arith.constant 0 : i32
    %dma_start3A_17 = tpu.memref_slice %arg5[%dma_start3A_15, %dma_start3A_16] : memref<1000000x16xf32, #tpu.memory_space<hbm>> -> memref<1000000x16xf32, #tpu.memory_space<hbm>>
    tpu.enqueue_indirect_dma source(%dma_start3A_17 : memref<1000000x16xf32, #tpu.memory_space<hbm>>) target(%dma_start3A_12 : memref<128x16xf32, #tpu.memory_space<vmem>>) offsets(%dma_start3A_14 : memref<128xi32, #tpu.memory_space<vmem>>) semaphore(%arg20 : memref<!tpu.dma_semaphore, #tpu.memory_space<semaphore_mem>>)
    %dma_start3A_18 = arith.constant 256 : i32
    %dma_start3A_19 = arith.constant 0 : i32
    %dma_start3A_20 = tpu.memref_slice %arg13[%dma_start3A_18, %dma_start3A_19] : memref<512x16xf32, #tpu.memory_space<vmem>> -> memref<128x16xf32, #tpu.memory_space<vmem>>
    %dma_start3A_21 = arith.constant 256 : i32
    %dma_start3A_22 = tpu.memref_slice %arg10[%dma_start3A_21] : memref<512xi32, #tpu.memory_space<vmem>> -> memref<128xi32, #tpu.memory_space<vmem>>
    %dma_start3A_23 = arith.constant 0 : i32
    %dma_start3A_24 = arith.constant 0 : i32
    %dma_start3A_25 = tpu.memref_slice %arg5[%dma_start3A_23, %dma_start3A_24] : memref<1000000x16xf32, #tpu.memory_space<hbm>> -> memref<1000000x16xf32, #tpu.memory_space<hbm>>
    tpu.enqueue_indirect_dma source(%dma_start3A_25 : memref<1000000x16xf32, #tpu.memory_space<hbm>>) target(%dma_start3A_20 : memref<128x16xf32, #tpu.memory_space<vmem>>) offsets(%dma_start3A_22 : memref<128xi32, #tpu.memory_space<vmem>>) semaphore(%arg20 : memref<!tpu.dma_semaphore, #tpu.memory_space<semaphore_mem>>)
    %dma_start3A_26 = arith.constant 384 : i32
    %dma_start3A_27 = arith.constant 0 : i32
    %dma_start3A_28 = tpu.memref_slice %arg13[%dma_start3A_26, %dma_start3A_27] : memref<512x16xf32, #tpu.memory_space<vmem>> -> memref<128x16xf32, #tpu.memory_space<vmem>>
    %dma_start3A_29 = arith.constant 384 : i32
    %dma_start3A_30 = tpu.memref_slice %arg10[%dma_start3A_29] : memref<512xi32, #tpu.memory_space<vmem>> -> memref<128xi32, #tpu.memory_space<vmem>>
    %dma_start3A_31 = arith.constant 0 : i32
    %dma_start3A_32 = arith.constant 0 : i32
    %dma_start3A_33 = tpu.memref_slice %arg5[%dma_start3A_31, %dma_start3A_32] : memref<1000000x16xf32, #tpu.memory_space<hbm>> -> memref<1000000x16xf32, #tpu.memory_space<hbm>>
    tpu.enqueue_indirect_dma source(%dma_start3A_33 : memref<1000000x16xf32, #tpu.memory_space<hbm>>) target(%dma_start3A_28 : memref<128x16xf32, #tpu.memory_space<vmem>>) offsets(%dma_start3A_30 : memref<128xi32, #tpu.memory_space<vmem>>) semaphore(%arg20 : memref<!tpu.dma_semaphore, #tpu.memory_space<semaphore_mem>>)
    %dma_start3A_34 = arith.constant 0 : i32
    %dma_start3A_35 = arith.constant 0 : i32
    %dma_start3A_36 = tpu.memref_slice %arg14[%dma_start3A_34, %dma_start3A_35] : memref<512x16xf32, #tpu.memory_space<vmem>> -> memref<128x16xf32, #tpu.memory_space<vmem>>
    %dma_start3A_37 = arith.constant 0 : i32
    %dma_start3A_38 = tpu.memref_slice %arg11[%dma_start3A_37] : memref<512xi32, #tpu.memory_space<vmem>> -> memref<128xi32, #tpu.memory_space<vmem>>
    %dma_start3A_39 = arith.constant 0 : i32
    %dma_start3A_40 = arith.constant 0 : i32
    %dma_start3A_41 = tpu.memref_slice %arg6[%dma_start3A_39, %dma_start3A_40] : memref<1000000x16xf32, #tpu.memory_space<hbm>> -> memref<1000000x16xf32, #tpu.memory_space<hbm>>
    tpu.enqueue_indirect_dma source(%dma_start3A_41 : memref<1000000x16xf32, #tpu.memory_space<hbm>>) target(%dma_start3A_36 : memref<128x16xf32, #tpu.memory_space<vmem>>) offsets(%dma_start3A_38 : memref<128xi32, #tpu.memory_space<vmem>>) semaphore(%arg20 : memref<!tpu.dma_semaphore, #tpu.memory_space<semaphore_mem>>)
    %dma_start3A_42 = arith.constant 128 : i32
    %dma_start3A_43 = arith.constant 0 : i32
    %dma_start3A_44 = tpu.memref_slice %arg14[%dma_start3A_42, %dma_start3A_43] : memref<512x16xf32, #tpu.memory_space<vmem>> -> memref<128x16xf32, #tpu.memory_space<vmem>>
    %dma_start3A_45 = arith.constant 128 : i32
    %dma_start3A_46 = tpu.memref_slice %arg11[%dma_start3A_45] : memref<512xi32, #tpu.memory_space<vmem>> -> memref<128xi32, #tpu.memory_space<vmem>>
    %dma_start3A_47 = arith.constant 0 : i32
    %dma_start3A_48 = arith.constant 0 : i32
    %dma_start3A_49 = tpu.memref_slice %arg6[%dma_start3A_47, %dma_start3A_48] : memref<1000000x16xf32, #tpu.memory_space<hbm>> -> memref<1000000x16xf32, #tpu.memory_space<hbm>>
    tpu.enqueue_indirect_dma source(%dma_start3A_49 : memref<1000000x16xf32, #tpu.memory_space<hbm>>) target(%dma_start3A_44 : memref<128x16xf32, #tpu.memory_space<vmem>>) offsets(%dma_start3A_46 : memref<128xi32, #tpu.memory_space<vmem>>) semaphore(%arg20 : memref<!tpu.dma_semaphore, #tpu.memory_space<semaphore_mem>>)
    %dma_start3A_50 = arith.constant 256 : i32
    %dma_start3A_51 = arith.constant 0 : i32
    %dma_start3A_52 = tpu.memref_slice %arg14[%dma_start3A_50, %dma_start3A_51] : memref<512x16xf32, #tpu.memory_space<vmem>> -> memref<128x16xf32, #tpu.memory_space<vmem>>
    %dma_start3A_53 = arith.constant 256 : i32
    %dma_start3A_54 = tpu.memref_slice %arg11[%dma_start3A_53] : memref<512xi32, #tpu.memory_space<vmem>> -> memref<128xi32, #tpu.memory_space<vmem>>
    %dma_start3A_55 = arith.constant 0 : i32
    %dma_start3A_56 = arith.constant 0 : i32
    %dma_start3A_57 = tpu.memref_slice %arg6[%dma_start3A_55, %dma_start3A_56] : memref<1000000x16xf32, #tpu.memory_space<hbm>> -> memref<1000000x16xf32, #tpu.memory_space<hbm>>
    tpu.enqueue_indirect_dma source(%dma_start3A_57 : memref<1000000x16xf32, #tpu.memory_space<hbm>>) target(%dma_start3A_52 : memref<128x16xf32, #tpu.memory_space<vmem>>) offsets(%dma_start3A_54 : memref<128xi32, #tpu.memory_space<vmem>>) semaphore(%arg20 : memref<!tpu.dma_semaphore, #tpu.memory_space<semaphore_mem>>)
    %dma_start3A_58 = arith.constant 384 : i32
    %dma_start3A_59 = arith.constant 0 : i32
    %dma_start3A_60 = tpu.memref_slice %arg14[%dma_start3A_58, %dma_start3A_59] : memref<512x16xf32, #tpu.memory_space<vmem>> -> memref<128x16xf32, #tpu.memory_space<vmem>>
    %dma_start3A_61 = arith.constant 384 : i32
    %dma_start3A_62 = tpu.memref_slice %arg11[%dma_start3A_61] : memref<512xi32, #tpu.memory_space<vmem>> -> memref<128xi32, #tpu.memory_space<vmem>>
    %dma_start3A_63 = arith.constant 0 : i32
    %dma_start3A_64 = arith.constant 0 : i32
    %dma_start3A_65 = tpu.memref_slice %arg6[%dma_start3A_63, %dma_start3A_64] : memref<1000000x16xf32, #tpu.memory_space<hbm>> -> memref<1000000x16xf32, #tpu.memory_space<hbm>>
    tpu.enqueue_indirect_dma source(%dma_start3A_65 : memref<1000000x16xf32, #tpu.memory_space<hbm>>) target(%dma_start3A_60 : memref<128x16xf32, #tpu.memory_space<vmem>>) offsets(%dma_start3A_62 : memref<128xi32, #tpu.memory_space<vmem>>) semaphore(%arg20 : memref<!tpu.dma_semaphore, #tpu.memory_space<semaphore_mem>>)
    %dma_start3A_66 = arith.constant 0 : i32
    %dma_start3A_67 = arith.constant 0 : i32
    %dma_start3A_68 = tpu.memref_slice %arg15[%dma_start3A_66, %dma_start3A_67] : memref<512x16xf32, #tpu.memory_space<vmem>> -> memref<128x16xf32, #tpu.memory_space<vmem>>
    %dma_start3A_69 = arith.constant 0 : i32
    %dma_start3A_70 = tpu.memref_slice %arg12[%dma_start3A_69] : memref<512xi32, #tpu.memory_space<vmem>> -> memref<128xi32, #tpu.memory_space<vmem>>
    %dma_start3A_71 = arith.constant 0 : i32
    %dma_start3A_72 = arith.constant 0 : i32
    %dma_start3A_73 = tpu.memref_slice %arg6[%dma_start3A_71, %dma_start3A_72] : memref<1000000x16xf32, #tpu.memory_space<hbm>> -> memref<1000000x16xf32, #tpu.memory_space<hbm>>
    tpu.enqueue_indirect_dma source(%dma_start3A_73 : memref<1000000x16xf32, #tpu.memory_space<hbm>>) target(%dma_start3A_68 : memref<128x16xf32, #tpu.memory_space<vmem>>) offsets(%dma_start3A_70 : memref<128xi32, #tpu.memory_space<vmem>>) semaphore(%arg20 : memref<!tpu.dma_semaphore, #tpu.memory_space<semaphore_mem>>)
    %dma_start3A_74 = arith.constant 128 : i32
    %dma_start3A_75 = arith.constant 0 : i32
    %dma_start3A_76 = tpu.memref_slice %arg15[%dma_start3A_74, %dma_start3A_75] : memref<512x16xf32, #tpu.memory_space<vmem>> -> memref<128x16xf32, #tpu.memory_space<vmem>>
    %dma_start3A_77 = arith.constant 128 : i32
    %dma_start3A_78 = tpu.memref_slice %arg12[%dma_start3A_77] : memref<512xi32, #tpu.memory_space<vmem>> -> memref<128xi32, #tpu.memory_space<vmem>>
    %dma_start3A_79 = arith.constant 0 : i32
    %dma_start3A_80 = arith.constant 0 : i32
    %dma_start3A_81 = tpu.memref_slice %arg6[%dma_start3A_79, %dma_start3A_80] : memref<1000000x16xf32, #tpu.memory_space<hbm>> -> memref<1000000x16xf32, #tpu.memory_space<hbm>>
    tpu.enqueue_indirect_dma source(%dma_start3A_81 : memref<1000000x16xf32, #tpu.memory_space<hbm>>) target(%dma_start3A_76 : memref<128x16xf32, #tpu.memory_space<vmem>>) offsets(%dma_start3A_78 : memref<128xi32, #tpu.memory_space<vmem>>) semaphore(%arg20 : memref<!tpu.dma_semaphore, #tpu.memory_space<semaphore_mem>>)
    %dma_start3A_82 = arith.constant 256 : i32
    %dma_start3A_83 = arith.constant 0 : i32
    %dma_start3A_84 = tpu.memref_slice %arg15[%dma_start3A_82, %dma_start3A_83] : memref<512x16xf32, #tpu.memory_space<vmem>> -> memref<128x16xf32, #tpu.memory_space<vmem>>
    %dma_start3A_85 = arith.constant 256 : i32
    %dma_start3A_86 = tpu.memref_slice %arg12[%dma_start3A_85] : memref<512xi32, #tpu.memory_space<vmem>> -> memref<128xi32, #tpu.memory_space<vmem>>
    %dma_start3A_87 = arith.constant 0 : i32
    %dma_start3A_88 = arith.constant 0 : i32
    %dma_start3A_89 = tpu.memref_slice %arg6[%dma_start3A_87, %dma_start3A_88] : memref<1000000x16xf32, #tpu.memory_space<hbm>> -> memref<1000000x16xf32, #tpu.memory_space<hbm>>
    tpu.enqueue_indirect_dma source(%dma_start3A_89 : memref<1000000x16xf32, #tpu.memory_space<hbm>>) target(%dma_start3A_84 : memref<128x16xf32, #tpu.memory_space<vmem>>) offsets(%dma_start3A_86 : memref<128xi32, #tpu.memory_space<vmem>>) semaphore(%arg20 : memref<!tpu.dma_semaphore, #tpu.memory_space<semaphore_mem>>)
    %dma_start3A_90 = arith.constant 384 : i32
    %dma_start3A_91 = arith.constant 0 : i32
    %dma_start3A_92 = tpu.memref_slice %arg15[%dma_start3A_90, %dma_start3A_91] : memref<512x16xf32, #tpu.memory_space<vmem>> -> memref<128x16xf32, #tpu.memory_space<vmem>>
    %dma_start3A_93 = arith.constant 384 : i32
    %dma_start3A_94 = tpu.memref_slice %arg12[%dma_start3A_93] : memref<512xi32, #tpu.memory_space<vmem>> -> memref<128xi32, #tpu.memory_space<vmem>>
    %dma_start3A_95 = arith.constant 0 : i32
    %dma_start3A_96 = arith.constant 0 : i32
    %dma_start3A_97 = tpu.memref_slice %arg6[%dma_start3A_95, %dma_start3A_96] : memref<1000000x16xf32, #tpu.memory_space<hbm>> -> memref<1000000x16xf32, #tpu.memory_space<hbm>>
    tpu.enqueue_indirect_dma source(%dma_start3A_97 : memref<1000000x16xf32, #tpu.memory_space<hbm>>) target(%dma_start3A_92 : memref<128x16xf32, #tpu.memory_space<vmem>>) offsets(%dma_start3A_94 : memref<128xi32, #tpu.memory_space<vmem>>) semaphore(%arg20 : memref<!tpu.dma_semaphore, #tpu.memory_space<semaphore_mem>>)
    %dma_start3A_98 = arith.constant 0 : i32
    %dma_start3A_99 = tpu.memref_slice %arg16[%dma_start3A_98] : memref<512xf32, #tpu.memory_space<vmem>> -> memref<128xf32, #tpu.memory_space<vmem>>
    %dma_start3A_100 = arith.constant 0 : i32
    %dma_start3A_101 = tpu.memref_slice %arg10[%dma_start3A_100] : memref<512xi32, #tpu.memory_space<vmem>> -> memref<128xi32, #tpu.memory_space<vmem>>
    %dma_start3A_102 = arith.constant 0 : i32
    %dma_start3A_103 = tpu.memref_slice %arg7[%dma_start3A_102] : memref<1000000xf32, #tpu.memory_space<hbm>> -> memref<1000000xf32, #tpu.memory_space<hbm>>
    tpu.enqueue_indirect_dma source(%dma_start3A_103 : memref<1000000xf32, #tpu.memory_space<hbm>>) target(%dma_start3A_99 : memref<128xf32, #tpu.memory_space<vmem>>) offsets(%dma_start3A_101 : memref<128xi32, #tpu.memory_space<vmem>>) semaphore(%arg20 : memref<!tpu.dma_semaphore, #tpu.memory_space<semaphore_mem>>)
    %dma_start3A_104 = arith.constant 128 : i32
    %dma_start3A_105 = tpu.memref_slice %arg16[%dma_start3A_104] : memref<512xf32, #tpu.memory_space<vmem>> -> memref<128xf32, #tpu.memory_space<vmem>>
    %dma_start3A_106 = arith.constant 128 : i32
    %dma_start3A_107 = tpu.memref_slice %arg10[%dma_start3A_106] : memref<512xi32, #tpu.memory_space<vmem>> -> memref<128xi32, #tpu.memory_space<vmem>>
    %dma_start3A_108 = arith.constant 0 : i32
    %dma_start3A_109 = tpu.memref_slice %arg7[%dma_start3A_108] : memref<1000000xf32, #tpu.memory_space<hbm>> -> memref<1000000xf32, #tpu.memory_space<hbm>>
    tpu.enqueue_indirect_dma source(%dma_start3A_109 : memref<1000000xf32, #tpu.memory_space<hbm>>) target(%dma_start3A_105 : memref<128xf32, #tpu.memory_space<vmem>>) offsets(%dma_start3A_107 : memref<128xi32, #tpu.memory_space<vmem>>) semaphore(%arg20 : memref<!tpu.dma_semaphore, #tpu.memory_space<semaphore_mem>>)
    %dma_start3A_110 = arith.constant 256 : i32
    %dma_start3A_111 = tpu.memref_slice %arg16[%dma_start3A_110] : memref<512xf32, #tpu.memory_space<vmem>> -> memref<128xf32, #tpu.memory_space<vmem>>
    %dma_start3A_112 = arith.constant 256 : i32
    %dma_start3A_113 = tpu.memref_slice %arg10[%dma_start3A_112] : memref<512xi32, #tpu.memory_space<vmem>> -> memref<128xi32, #tpu.memory_space<vmem>>
    %dma_start3A_114 = arith.constant 0 : i32
    %dma_start3A_115 = tpu.memref_slice %arg7[%dma_start3A_114] : memref<1000000xf32, #tpu.memory_space<hbm>> -> memref<1000000xf32, #tpu.memory_space<hbm>>
    tpu.enqueue_indirect_dma source(%dma_start3A_115 : memref<1000000xf32, #tpu.memory_space<hbm>>) target(%dma_start3A_111 : memref<128xf32, #tpu.memory_space<vmem>>) offsets(%dma_start3A_113 : memref<128xi32, #tpu.memory_space<vmem>>) semaphore(%arg20 : memref<!tpu.dma_semaphore, #tpu.memory_space<semaphore_mem>>)
    %dma_start3A_116 = arith.constant 384 : i32
    %dma_start3A_117 = tpu.memref_slice %arg16[%dma_start3A_116] : memref<512xf32, #tpu.memory_space<vmem>> -> memref<128xf32, #tpu.memory_space<vmem>>
    %dma_start3A_118 = arith.constant 384 : i32
    %dma_start3A_119 = tpu.memref_slice %arg10[%dma_start3A_118] : memref<512xi32, #tpu.memory_space<vmem>> -> memref<128xi32, #tpu.memory_space<vmem>>
    %dma_start3A_120 = arith.constant 0 : i32
    %dma_start3A_121 = tpu.memref_slice %arg7[%dma_start3A_120] : memref<1000000xf32, #tpu.memory_space<hbm>> -> memref<1000000xf32, #tpu.memory_space<hbm>>
    tpu.enqueue_indirect_dma source(%dma_start3A_121 : memref<1000000xf32, #tpu.memory_space<hbm>>) target(%dma_start3A_117 : memref<128xf32, #tpu.memory_space<vmem>>) offsets(%dma_start3A_119 : memref<128xi32, #tpu.memory_space<vmem>>) semaphore(%arg20 : memref<!tpu.dma_semaphore, #tpu.memory_space<semaphore_mem>>)
    %dma_start3A_122 = arith.constant 0 : i32
    %dma_start3A_123 = tpu.memref_slice %arg17[%dma_start3A_122] : memref<512xf32, #tpu.memory_space<vmem>> -> memref<128xf32, #tpu.memory_space<vmem>>
    %dma_start3A_124 = arith.constant 0 : i32
    %dma_start3A_125 = tpu.memref_slice %arg11[%dma_start3A_124] : memref<512xi32, #tpu.memory_space<vmem>> -> memref<128xi32, #tpu.memory_space<vmem>>
    %dma_start3A_126 = arith.constant 0 : i32
    %dma_start3A_127 = tpu.memref_slice %arg8[%dma_start3A_126] : memref<1000000xf32, #tpu.memory_space<hbm>> -> memref<1000000xf32, #tpu.memory_space<hbm>>
    tpu.enqueue_indirect_dma source(%dma_start3A_127 : memref<1000000xf32, #tpu.memory_space<hbm>>) target(%dma_start3A_123 : memref<128xf32, #tpu.memory_space<vmem>>) offsets(%dma_start3A_125 : memref<128xi32, #tpu.memory_space<vmem>>) semaphore(%arg20 : memref<!tpu.dma_semaphore, #tpu.memory_space<semaphore_mem>>)
    %dma_start3A_128 = arith.constant 128 : i32
    %dma_start3A_129 = tpu.memref_slice %arg17[%dma_start3A_128] : memref<512xf32, #tpu.memory_space<vmem>> -> memref<128xf32, #tpu.memory_space<vmem>>
    %dma_start3A_130 = arith.constant 128 : i32
    %dma_start3A_131 = tpu.memref_slice %arg11[%dma_start3A_130] : memref<512xi32, #tpu.memory_space<vmem>> -> memref<128xi32, #tpu.memory_space<vmem>>
    %dma_start3A_132 = arith.constant 0 : i32
    %dma_start3A_133 = tpu.memref_slice %arg8[%dma_start3A_132] : memref<1000000xf32, #tpu.memory_space<hbm>> -> memref<1000000xf32, #tpu.memory_space<hbm>>
    tpu.enqueue_indirect_dma source(%dma_start3A_133 : memref<1000000xf32, #tpu.memory_space<hbm>>) target(%dma_start3A_129 : memref<128xf32, #tpu.memory_space<vmem>>) offsets(%dma_start3A_131 : memref<128xi32, #tpu.memory_space<vmem>>) semaphore(%arg20 : memref<!tpu.dma_semaphore, #tpu.memory_space<semaphore_mem>>)
    %dma_start3A_134 = arith.constant 256 : i32
    %dma_start3A_135 = tpu.memref_slice %arg17[%dma_start3A_134] : memref<512xf32, #tpu.memory_space<vmem>> -> memref<128xf32, #tpu.memory_space<vmem>>
    %dma_start3A_136 = arith.constant 256 : i32
    %dma_start3A_137 = tpu.memref_slice %arg11[%dma_start3A_136] : memref<512xi32, #tpu.memory_space<vmem>> -> memref<128xi32, #tpu.memory_space<vmem>>
    %dma_start3A_138 = arith.constant 0 : i32
    %dma_start3A_139 = tpu.memref_slice %arg8[%dma_start3A_138] : memref<1000000xf32, #tpu.memory_space<hbm>> -> memref<1000000xf32, #tpu.memory_space<hbm>>
    tpu.enqueue_indirect_dma source(%dma_start3A_139 : memref<1000000xf32, #tpu.memory_space<hbm>>) target(%dma_start3A_135 : memref<128xf32, #tpu.memory_space<vmem>>) offsets(%dma_start3A_137 : memref<128xi32, #tpu.memory_space<vmem>>) semaphore(%arg20 : memref<!tpu.dma_semaphore, #tpu.memory_space<semaphore_mem>>)
    %dma_start3A_140 = arith.constant 384 : i32
    %dma_start3A_141 = tpu.memref_slice %arg17[%dma_start3A_140] : memref<512xf32, #tpu.memory_space<vmem>> -> memref<128xf32, #tpu.memory_space<vmem>>
    %dma_start3A_142 = arith.constant 384 : i32
    %dma_start3A_143 = tpu.memref_slice %arg11[%dma_start3A_142] : memref<512xi32, #tpu.memory_space<vmem>> -> memref<128xi32, #tpu.memory_space<vmem>>
    %dma_start3A_144 = arith.constant 0 : i32
    %dma_start3A_145 = tpu.memref_slice %arg8[%dma_start3A_144] : memref<1000000xf32, #tpu.memory_space<hbm>> -> memref<1000000xf32, #tpu.memory_space<hbm>>
    tpu.enqueue_indirect_dma source(%dma_start3A_145 : memref<1000000xf32, #tpu.memory_space<hbm>>) target(%dma_start3A_141 : memref<128xf32, #tpu.memory_space<vmem>>) offsets(%dma_start3A_143 : memref<128xi32, #tpu.memory_space<vmem>>) semaphore(%arg20 : memref<!tpu.dma_semaphore, #tpu.memory_space<semaphore_mem>>)
    %dma_start3A_146 = arith.constant 0 : i32
    %dma_start3A_147 = tpu.memref_slice %arg18[%dma_start3A_146] : memref<512xf32, #tpu.memory_space<vmem>> -> memref<128xf32, #tpu.memory_space<vmem>>
    %dma_start3A_148 = arith.constant 0 : i32
    %dma_start3A_149 = tpu.memref_slice %arg12[%dma_start3A_148] : memref<512xi32, #tpu.memory_space<vmem>> -> memref<128xi32, #tpu.memory_space<vmem>>
    %dma_start3A_150 = arith.constant 0 : i32
    %dma_start3A_151 = tpu.memref_slice %arg8[%dma_start3A_150] : memref<1000000xf32, #tpu.memory_space<hbm>> -> memref<1000000xf32, #tpu.memory_space<hbm>>
    tpu.enqueue_indirect_dma source(%dma_start3A_151 : memref<1000000xf32, #tpu.memory_space<hbm>>) target(%dma_start3A_147 : memref<128xf32, #tpu.memory_space<vmem>>) offsets(%dma_start3A_149 : memref<128xi32, #tpu.memory_space<vmem>>) semaphore(%arg20 : memref<!tpu.dma_semaphore, #tpu.memory_space<semaphore_mem>>)
    %dma_start3A_152 = arith.constant 128 : i32
    %dma_start3A_153 = tpu.memref_slice %arg18[%dma_start3A_152] : memref<512xf32, #tpu.memory_space<vmem>> -> memref<128xf32, #tpu.memory_space<vmem>>
    %dma_start3A_154 = arith.constant 128 : i32
    %dma_start3A_155 = tpu.memref_slice %arg12[%dma_start3A_154] : memref<512xi32, #tpu.memory_space<vmem>> -> memref<128xi32, #tpu.memory_space<vmem>>
    %dma_start3A_156 = arith.constant 0 : i32
    %dma_start3A_157 = tpu.memref_slice %arg8[%dma_start3A_156] : memref<1000000xf32, #tpu.memory_space<hbm>> -> memref<1000000xf32, #tpu.memory_space<hbm>>
    tpu.enqueue_indirect_dma source(%dma_start3A_157 : memref<1000000xf32, #tpu.memory_space<hbm>>) target(%dma_start3A_153 : memref<128xf32, #tpu.memory_space<vmem>>) offsets(%dma_start3A_155 : memref<128xi32, #tpu.memory_space<vmem>>) semaphore(%arg20 : memref<!tpu.dma_semaphore, #tpu.memory_space<semaphore_mem>>)
    %dma_start3A_158 = arith.constant 256 : i32
    %dma_start3A_159 = tpu.memref_slice %arg18[%dma_start3A_158] : memref<512xf32, #tpu.memory_space<vmem>> -> memref<128xf32, #tpu.memory_space<vmem>>
    %dma_start3A_160 = arith.constant 256 : i32
    %dma_start3A_161 = tpu.memref_slice %arg12[%dma_start3A_160] : memref<512xi32, #tpu.memory_space<vmem>> -> memref<128xi32, #tpu.memory_space<vmem>>
    %dma_start3A_162 = arith.constant 0 : i32
    %dma_start3A_163 = tpu.memref_slice %arg8[%dma_start3A_162] : memref<1000000xf32, #tpu.memory_space<hbm>> -> memref<1000000xf32, #tpu.memory_space<hbm>>
    tpu.enqueue_indirect_dma source(%dma_start3A_163 : memref<1000000xf32, #tpu.memory_space<hbm>>) target(%dma_start3A_159 : memref<128xf32, #tpu.memory_space<vmem>>) offsets(%dma_start3A_161 : memref<128xi32, #tpu.memory_space<vmem>>) semaphore(%arg20 : memref<!tpu.dma_semaphore, #tpu.memory_space<semaphore_mem>>)
    %dma_start3A_164 = arith.constant 384 : i32
    %dma_start3A_165 = tpu.memref_slice %arg18[%dma_start3A_164] : memref<512xf32, #tpu.memory_space<vmem>> -> memref<128xf32, #tpu.memory_space<vmem>>
    %dma_start3A_166 = arith.constant 384 : i32
    %dma_start3A_167 = tpu.memref_slice %arg12[%dma_start3A_166] : memref<512xi32, #tpu.memory_space<vmem>> -> memref<128xi32, #tpu.memory_space<vmem>>
    %dma_start3A_168 = arith.constant 0 : i32
    %dma_start3A_169 = tpu.memref_slice %arg8[%dma_start3A_168] : memref<1000000xf32, #tpu.memory_space<hbm>> -> memref<1000000xf32, #tpu.memory_space<hbm>>
    tpu.enqueue_indirect_dma source(%dma_start3A_169 : memref<1000000xf32, #tpu.memory_space<hbm>>) target(%dma_start3A_165 : memref<128xf32, #tpu.memory_space<vmem>>) offsets(%dma_start3A_167 : memref<128xi32, #tpu.memory_space<vmem>>) semaphore(%arg20 : memref<!tpu.dma_semaphore, #tpu.memory_space<semaphore_mem>>)
    %dma_wait3A = arith.constant 0 : i32
    %dma_wait3A_170 = arith.constant 0 : i32
    %dma_wait3A_171 = tpu.memref_slice %arg13[%dma_wait3A, %dma_wait3A_170] : memref<512x16xf32, #tpu.memory_space<vmem>> -> memref<128x16xf32, #tpu.memory_space<vmem>>
    %dma_wait3A_172 = arith.constant 0 : i32
    %dma_wait3A_173 = tpu.memref_slice %arg10[%dma_wait3A_172] : memref<512xi32, #tpu.memory_space<vmem>> -> memref<128xi32, #tpu.memory_space<vmem>>
    %dma_wait3A_174 = arith.constant 0 : i32
    %dma_wait3A_175 = arith.constant 0 : i32
    %dma_wait3A_176 = tpu.memref_slice %arg5[%dma_wait3A_174, %dma_wait3A_175] : memref<1000000x16xf32, #tpu.memory_space<hbm>> -> memref<1000000x16xf32, #tpu.memory_space<hbm>>
    tpu.wait_indirect_dma semaphore(%arg20 : memref<!tpu.dma_semaphore, #tpu.memory_space<semaphore_mem>>) src(%dma_wait3A_176 : memref<1000000x16xf32, #tpu.memory_space<hbm>>) dst(%dma_wait3A_171 : memref<128x16xf32, #tpu.memory_space<vmem>>)
    %dma_wait3A_177 = arith.constant 128 : i32
    %dma_wait3A_178 = arith.constant 0 : i32
    %dma_wait3A_179 = tpu.memref_slice %arg13[%dma_wait3A_177, %dma_wait3A_178] : memref<512x16xf32, #tpu.memory_space<vmem>> -> memref<128x16xf32, #tpu.memory_space<vmem>>
    %dma_wait3A_180 = arith.constant 128 : i32
    %dma_wait3A_181 = tpu.memref_slice %arg10[%dma_wait3A_180] : memref<512xi32, #tpu.memory_space<vmem>> -> memref<128xi32, #tpu.memory_space<vmem>>
    %dma_wait3A_182 = arith.constant 0 : i32
    %dma_wait3A_183 = arith.constant 0 : i32
    %dma_wait3A_184 = tpu.memref_slice %arg5[%dma_wait3A_182, %dma_wait3A_183] : memref<1000000x16xf32, #tpu.memory_space<hbm>> -> memref<1000000x16xf32, #tpu.memory_space<hbm>>
    tpu.wait_indirect_dma semaphore(%arg20 : memref<!tpu.dma_semaphore, #tpu.memory_space<semaphore_mem>>) src(%dma_wait3A_184 : memref<1000000x16xf32, #tpu.memory_space<hbm>>) dst(%dma_wait3A_179 : memref<128x16xf32, #tpu.memory_space<vmem>>)
    %dma_wait3A_185 = arith.constant 256 : i32
    %dma_wait3A_186 = arith.constant 0 : i32
    %dma_wait3A_187 = tpu.memref_slice %arg13[%dma_wait3A_185, %dma_wait3A_186] : memref<512x16xf32, #tpu.memory_space<vmem>> -> memref<128x16xf32, #tpu.memory_space<vmem>>
    %dma_wait3A_188 = arith.constant 256 : i32
    %dma_wait3A_189 = tpu.memref_slice %arg10[%dma_wait3A_188] : memref<512xi32, #tpu.memory_space<vmem>> -> memref<128xi32, #tpu.memory_space<vmem>>
    %dma_wait3A_190 = arith.constant 0 : i32
    %dma_wait3A_191 = arith.constant 0 : i32
    %dma_wait3A_192 = tpu.memref_slice %arg5[%dma_wait3A_190, %dma_wait3A_191] : memref<1000000x16xf32, #tpu.memory_space<hbm>> -> memref<1000000x16xf32, #tpu.memory_space<hbm>>
    tpu.wait_indirect_dma semaphore(%arg20 : memref<!tpu.dma_semaphore, #tpu.memory_space<semaphore_mem>>) src(%dma_wait3A_192 : memref<1000000x16xf32, #tpu.memory_space<hbm>>) dst(%dma_wait3A_187 : memref<128x16xf32, #tpu.memory_space<vmem>>)
    %dma_wait3A_193 = arith.constant 384 : i32
    %dma_wait3A_194 = arith.constant 0 : i32
    %dma_wait3A_195 = tpu.memref_slice %arg13[%dma_wait3A_193, %dma_wait3A_194] : memref<512x16xf32, #tpu.memory_space<vmem>> -> memref<128x16xf32, #tpu.memory_space<vmem>>
    %dma_wait3A_196 = arith.constant 384 : i32
    %dma_wait3A_197 = tpu.memref_slice %arg10[%dma_wait3A_196] : memref<512xi32, #tpu.memory_space<vmem>> -> memref<128xi32, #tpu.memory_space<vmem>>
    %dma_wait3A_198 = arith.constant 0 : i32
    %dma_wait3A_199 = arith.constant 0 : i32
    %dma_wait3A_200 = tpu.memref_slice %arg5[%dma_wait3A_198, %dma_wait3A_199] : memref<1000000x16xf32, #tpu.memory_space<hbm>> -> memref<1000000x16xf32, #tpu.memory_space<hbm>>
    tpu.wait_indirect_dma semaphore(%arg20 : memref<!tpu.dma_semaphore, #tpu.memory_space<semaphore_mem>>) src(%dma_wait3A_200 : memref<1000000x16xf32, #tpu.memory_space<hbm>>) dst(%dma_wait3A_195 : memref<128x16xf32, #tpu.memory_space<vmem>>)
    %dma_wait3A_201 = arith.constant 0 : i32
    %dma_wait3A_202 = arith.constant 0 : i32
    %dma_wait3A_203 = tpu.memref_slice %arg14[%dma_wait3A_201, %dma_wait3A_202] : memref<512x16xf32, #tpu.memory_space<vmem>> -> memref<128x16xf32, #tpu.memory_space<vmem>>
    %dma_wait3A_204 = arith.constant 0 : i32
    %dma_wait3A_205 = tpu.memref_slice %arg11[%dma_wait3A_204] : memref<512xi32, #tpu.memory_space<vmem>> -> memref<128xi32, #tpu.memory_space<vmem>>
    %dma_wait3A_206 = arith.constant 0 : i32
    %dma_wait3A_207 = arith.constant 0 : i32
    %dma_wait3A_208 = tpu.memref_slice %arg6[%dma_wait3A_206, %dma_wait3A_207] : memref<1000000x16xf32, #tpu.memory_space<hbm>> -> memref<1000000x16xf32, #tpu.memory_space<hbm>>
    tpu.wait_indirect_dma semaphore(%arg20 : memref<!tpu.dma_semaphore, #tpu.memory_space<semaphore_mem>>) src(%dma_wait3A_208 : memref<1000000x16xf32, #tpu.memory_space<hbm>>) dst(%dma_wait3A_203 : memref<128x16xf32, #tpu.memory_space<vmem>>)
    %dma_wait3A_209 = arith.constant 128 : i32
    %dma_wait3A_210 = arith.constant 0 : i32
    %dma_wait3A_211 = tpu.memref_slice %arg14[%dma_wait3A_209, %dma_wait3A_210] : memref<512x16xf32, #tpu.memory_space<vmem>> -> memref<128x16xf32, #tpu.memory_space<vmem>>
    %dma_wait3A_212 = arith.constant 128 : i32
    %dma_wait3A_213 = tpu.memref_slice %arg11[%dma_wait3A_212] : memref<512xi32, #tpu.memory_space<vmem>> -> memref<128xi32, #tpu.memory_space<vmem>>
    %dma_wait3A_214 = arith.constant 0 : i32
    %dma_wait3A_215 = arith.constant 0 : i32
    %dma_wait3A_216 = tpu.memref_slice %arg6[%dma_wait3A_214, %dma_wait3A_215] : memref<1000000x16xf32, #tpu.memory_space<hbm>> -> memref<1000000x16xf32, #tpu.memory_space<hbm>>
    tpu.wait_indirect_dma semaphore(%arg20 : memref<!tpu.dma_semaphore, #tpu.memory_space<semaphore_mem>>) src(%dma_wait3A_216 : memref<1000000x16xf32, #tpu.memory_space<hbm>>) dst(%dma_wait3A_211 : memref<128x16xf32, #tpu.memory_space<vmem>>)
    %dma_wait3A_217 = arith.constant 256 : i32
    %dma_wait3A_218 = arith.constant 0 : i32
    %dma_wait3A_219 = tpu.memref_slice %arg14[%dma_wait3A_217, %dma_wait3A_218] : memref<512x16xf32, #tpu.memory_space<vmem>> -> memref<128x16xf32, #tpu.memory_space<vmem>>
    %dma_wait3A_220 = arith.constant 256 : i32
    %dma_wait3A_221 = tpu.memref_slice %arg11[%dma_wait3A_220] : memref<512xi32, #tpu.memory_space<vmem>> -> memref<128xi32, #tpu.memory_space<vmem>>
    %dma_wait3A_222 = arith.constant 0 : i32
    %dma_wait3A_223 = arith.constant 0 : i32
    %dma_wait3A_224 = tpu.memref_slice %arg6[%dma_wait3A_222, %dma_wait3A_223] : memref<1000000x16xf32, #tpu.memory_space<hbm>> -> memref<1000000x16xf32, #tpu.memory_space<hbm>>
    tpu.wait_indirect_dma semaphore(%arg20 : memref<!tpu.dma_semaphore, #tpu.memory_space<semaphore_mem>>) src(%dma_wait3A_224 : memref<1000000x16xf32, #tpu.memory_space<hbm>>) dst(%dma_wait3A_219 : memref<128x16xf32, #tpu.memory_space<vmem>>)
    %dma_wait3A_225 = arith.constant 384 : i32
    %dma_wait3A_226 = arith.constant 0 : i32
    %dma_wait3A_227 = tpu.memref_slice %arg14[%dma_wait3A_225, %dma_wait3A_226] : memref<512x16xf32, #tpu.memory_space<vmem>> -> memref<128x16xf32, #tpu.memory_space<vmem>>
    %dma_wait3A_228 = arith.constant 384 : i32
    %dma_wait3A_229 = tpu.memref_slice %arg11[%dma_wait3A_228] : memref<512xi32, #tpu.memory_space<vmem>> -> memref<128xi32, #tpu.memory_space<vmem>>
    %dma_wait3A_230 = arith.constant 0 : i32
    %dma_wait3A_231 = arith.constant 0 : i32
    %dma_wait3A_232 = tpu.memref_slice %arg6[%dma_wait3A_230, %dma_wait3A_231] : memref<1000000x16xf32, #tpu.memory_space<hbm>> -> memref<1000000x16xf32, #tpu.memory_space<hbm>>
    tpu.wait_indirect_dma semaphore(%arg20 : memref<!tpu.dma_semaphore, #tpu.memory_space<semaphore_mem>>) src(%dma_wait3A_232 : memref<1000000x16xf32, #tpu.memory_space<hbm>>) dst(%dma_wait3A_227 : memref<128x16xf32, #tpu.memory_space<vmem>>)
    %dma_wait3A_233 = arith.constant 0 : i32
    %dma_wait3A_234 = arith.constant 0 : i32
    %dma_wait3A_235 = tpu.memref_slice %arg15[%dma_wait3A_233, %dma_wait3A_234] : memref<512x16xf32, #tpu.memory_space<vmem>> -> memref<128x16xf32, #tpu.memory_space<vmem>>
    %dma_wait3A_236 = arith.constant 0 : i32
    %dma_wait3A_237 = tpu.memref_slice %arg12[%dma_wait3A_236] : memref<512xi32, #tpu.memory_space<vmem>> -> memref<128xi32, #tpu.memory_space<vmem>>
    %dma_wait3A_238 = arith.constant 0 : i32
    %dma_wait3A_239 = arith.constant 0 : i32
    %dma_wait3A_240 = tpu.memref_slice %arg6[%dma_wait3A_238, %dma_wait3A_239] : memref<1000000x16xf32, #tpu.memory_space<hbm>> -> memref<1000000x16xf32, #tpu.memory_space<hbm>>
    tpu.wait_indirect_dma semaphore(%arg20 : memref<!tpu.dma_semaphore, #tpu.memory_space<semaphore_mem>>) src(%dma_wait3A_240 : memref<1000000x16xf32, #tpu.memory_space<hbm>>) dst(%dma_wait3A_235 : memref<128x16xf32, #tpu.memory_space<vmem>>)
    %dma_wait3A_241 = arith.constant 128 : i32
    %dma_wait3A_242 = arith.constant 0 : i32
    %dma_wait3A_243 = tpu.memref_slice %arg15[%dma_wait3A_241, %dma_wait3A_242] : memref<512x16xf32, #tpu.memory_space<vmem>> -> memref<128x16xf32, #tpu.memory_space<vmem>>
    %dma_wait3A_244 = arith.constant 128 : i32
    %dma_wait3A_245 = tpu.memref_slice %arg12[%dma_wait3A_244] : memref<512xi32, #tpu.memory_space<vmem>> -> memref<128xi32, #tpu.memory_space<vmem>>
    %dma_wait3A_246 = arith.constant 0 : i32
    %dma_wait3A_247 = arith.constant 0 : i32
    %dma_wait3A_248 = tpu.memref_slice %arg6[%dma_wait3A_246, %dma_wait3A_247] : memref<1000000x16xf32, #tpu.memory_space<hbm>> -> memref<1000000x16xf32, #tpu.memory_space<hbm>>
    tpu.wait_indirect_dma semaphore(%arg20 : memref<!tpu.dma_semaphore, #tpu.memory_space<semaphore_mem>>) src(%dma_wait3A_248 : memref<1000000x16xf32, #tpu.memory_space<hbm>>) dst(%dma_wait3A_243 : memref<128x16xf32, #tpu.memory_space<vmem>>)
    %dma_wait3A_249 = arith.constant 256 : i32
    %dma_wait3A_250 = arith.constant 0 : i32
    %dma_wait3A_251 = tpu.memref_slice %arg15[%dma_wait3A_249, %dma_wait3A_250] : memref<512x16xf32, #tpu.memory_space<vmem>> -> memref<128x16xf32, #tpu.memory_space<vmem>>
    %dma_wait3A_252 = arith.constant 256 : i32
    %dma_wait3A_253 = tpu.memref_slice %arg12[%dma_wait3A_252] : memref<512xi32, #tpu.memory_space<vmem>> -> memref<128xi32, #tpu.memory_space<vmem>>
    %dma_wait3A_254 = arith.constant 0 : i32
    %dma_wait3A_255 = arith.constant 0 : i32
    %dma_wait3A_256 = tpu.memref_slice %arg6[%dma_wait3A_254, %dma_wait3A_255] : memref<1000000x16xf32, #tpu.memory_space<hbm>> -> memref<1000000x16xf32, #tpu.memory_space<hbm>>
    tpu.wait_indirect_dma semaphore(%arg20 : memref<!tpu.dma_semaphore, #tpu.memory_space<semaphore_mem>>) src(%dma_wait3A_256 : memref<1000000x16xf32, #tpu.memory_space<hbm>>) dst(%dma_wait3A_251 : memref<128x16xf32, #tpu.memory_space<vmem>>)
    %dma_wait3A_257 = arith.constant 384 : i32
    %dma_wait3A_258 = arith.constant 0 : i32
    %dma_wait3A_259 = tpu.memref_slice %arg15[%dma_wait3A_257, %dma_wait3A_258] : memref<512x16xf32, #tpu.memory_space<vmem>> -> memref<128x16xf32, #tpu.memory_space<vmem>>
    %dma_wait3A_260 = arith.constant 384 : i32
    %dma_wait3A_261 = tpu.memref_slice %arg12[%dma_wait3A_260] : memref<512xi32, #tpu.memory_space<vmem>> -> memref<128xi32, #tpu.memory_space<vmem>>
    %dma_wait3A_262 = arith.constant 0 : i32
    %dma_wait3A_263 = arith.constant 0 : i32
    %dma_wait3A_264 = tpu.memref_slice %arg6[%dma_wait3A_262, %dma_wait3A_263] : memref<1000000x16xf32, #tpu.memory_space<hbm>> -> memref<1000000x16xf32, #tpu.memory_space<hbm>>
    tpu.wait_indirect_dma semaphore(%arg20 : memref<!tpu.dma_semaphore, #tpu.memory_space<semaphore_mem>>) src(%dma_wait3A_264 : memref<1000000x16xf32, #tpu.memory_space<hbm>>) dst(%dma_wait3A_259 : memref<128x16xf32, #tpu.memory_space<vmem>>)
    %dma_wait3A_265 = arith.constant 0 : i32
    %dma_wait3A_266 = tpu.memref_slice %arg16[%dma_wait3A_265] : memref<512xf32, #tpu.memory_space<vmem>> -> memref<128xf32, #tpu.memory_space<vmem>>
    %dma_wait3A_267 = arith.constant 0 : i32
    %dma_wait3A_268 = tpu.memref_slice %arg10[%dma_wait3A_267] : memref<512xi32, #tpu.memory_space<vmem>> -> memref<128xi32, #tpu.memory_space<vmem>>
    %dma_wait3A_269 = arith.constant 0 : i32
    %dma_wait3A_270 = tpu.memref_slice %arg7[%dma_wait3A_269] : memref<1000000xf32, #tpu.memory_space<hbm>> -> memref<1000000xf32, #tpu.memory_space<hbm>>
    tpu.wait_indirect_dma semaphore(%arg20 : memref<!tpu.dma_semaphore, #tpu.memory_space<semaphore_mem>>) src(%dma_wait3A_270 : memref<1000000xf32, #tpu.memory_space<hbm>>) dst(%dma_wait3A_266 : memref<128xf32, #tpu.memory_space<vmem>>)
    %dma_wait3A_271 = arith.constant 128 : i32
    %dma_wait3A_272 = tpu.memref_slice %arg16[%dma_wait3A_271] : memref<512xf32, #tpu.memory_space<vmem>> -> memref<128xf32, #tpu.memory_space<vmem>>
    %dma_wait3A_273 = arith.constant 128 : i32
    %dma_wait3A_274 = tpu.memref_slice %arg10[%dma_wait3A_273] : memref<512xi32, #tpu.memory_space<vmem>> -> memref<128xi32, #tpu.memory_space<vmem>>
    %dma_wait3A_275 = arith.constant 0 : i32
    %dma_wait3A_276 = tpu.memref_slice %arg7[%dma_wait3A_275] : memref<1000000xf32, #tpu.memory_space<hbm>> -> memref<1000000xf32, #tpu.memory_space<hbm>>
    tpu.wait_indirect_dma semaphore(%arg20 : memref<!tpu.dma_semaphore, #tpu.memory_space<semaphore_mem>>) src(%dma_wait3A_276 : memref<1000000xf32, #tpu.memory_space<hbm>>) dst(%dma_wait3A_272 : memref<128xf32, #tpu.memory_space<vmem>>)
    %dma_wait3A_277 = arith.constant 256 : i32
    %dma_wait3A_278 = tpu.memref_slice %arg16[%dma_wait3A_277] : memref<512xf32, #tpu.memory_space<vmem>> -> memref<128xf32, #tpu.memory_space<vmem>>
    %dma_wait3A_279 = arith.constant 256 : i32
    %dma_wait3A_280 = tpu.memref_slice %arg10[%dma_wait3A_279] : memref<512xi32, #tpu.memory_space<vmem>> -> memref<128xi32, #tpu.memory_space<vmem>>
    %dma_wait3A_281 = arith.constant 0 : i32
    %dma_wait3A_282 = tpu.memref_slice %arg7[%dma_wait3A_281] : memref<1000000xf32, #tpu.memory_space<hbm>> -> memref<1000000xf32, #tpu.memory_space<hbm>>
    tpu.wait_indirect_dma semaphore(%arg20 : memref<!tpu.dma_semaphore, #tpu.memory_space<semaphore_mem>>) src(%dma_wait3A_282 : memref<1000000xf32, #tpu.memory_space<hbm>>) dst(%dma_wait3A_278 : memref<128xf32, #tpu.memory_space<vmem>>)
    %dma_wait3A_283 = arith.constant 384 : i32
    %dma_wait3A_284 = tpu.memref_slice %arg16[%dma_wait3A_283] : memref<512xf32, #tpu.memory_space<vmem>> -> memref<128xf32, #tpu.memory_space<vmem>>
    %dma_wait3A_285 = arith.constant 384 : i32
    %dma_wait3A_286 = tpu.memref_slice %arg10[%dma_wait3A_285] : memref<512xi32, #tpu.memory_space<vmem>> -> memref<128xi32, #tpu.memory_space<vmem>>
    %dma_wait3A_287 = arith.constant 0 : i32
    %dma_wait3A_288 = tpu.memref_slice %arg7[%dma_wait3A_287] : memref<1000000xf32, #tpu.memory_space<hbm>> -> memref<1000000xf32, #tpu.memory_space<hbm>>
    tpu.wait_indirect_dma semaphore(%arg20 : memref<!tpu.dma_semaphore, #tpu.memory_space<semaphore_mem>>) src(%dma_wait3A_288 : memref<1000000xf32, #tpu.memory_space<hbm>>) dst(%dma_wait3A_284 : memref<128xf32, #tpu.memory_space<vmem>>)
    %dma_wait3A_289 = arith.constant 0 : i32
    %dma_wait3A_290 = tpu.memref_slice %arg17[%dma_wait3A_289] : memref<512xf32, #tpu.memory_space<vmem>> -> memref<128xf32, #tpu.memory_space<vmem>>
    %dma_wait3A_291 = arith.constant 0 : i32
    %dma_wait3A_292 = tpu.memref_slice %arg11[%dma_wait3A_291] : memref<512xi32, #tpu.memory_space<vmem>> -> memref<128xi32, #tpu.memory_space<vmem>>
    %dma_wait3A_293 = arith.constant 0 : i32
    %dma_wait3A_294 = tpu.memref_slice %arg8[%dma_wait3A_293] : memref<1000000xf32, #tpu.memory_space<hbm>> -> memref<1000000xf32, #tpu.memory_space<hbm>>
    tpu.wait_indirect_dma semaphore(%arg20 : memref<!tpu.dma_semaphore, #tpu.memory_space<semaphore_mem>>) src(%dma_wait3A_294 : memref<1000000xf32, #tpu.memory_space<hbm>>) dst(%dma_wait3A_290 : memref<128xf32, #tpu.memory_space<vmem>>)
    %dma_wait3A_295 = arith.constant 128 : i32
    %dma_wait3A_296 = tpu.memref_slice %arg17[%dma_wait3A_295] : memref<512xf32, #tpu.memory_space<vmem>> -> memref<128xf32, #tpu.memory_space<vmem>>
    %dma_wait3A_297 = arith.constant 128 : i32
    %dma_wait3A_298 = tpu.memref_slice %arg11[%dma_wait3A_297] : memref<512xi32, #tpu.memory_space<vmem>> -> memref<128xi32, #tpu.memory_space<vmem>>
    %dma_wait3A_299 = arith.constant 0 : i32
    %dma_wait3A_300 = tpu.memref_slice %arg8[%dma_wait3A_299] : memref<1000000xf32, #tpu.memory_space<hbm>> -> memref<1000000xf32, #tpu.memory_space<hbm>>
    tpu.wait_indirect_dma semaphore(%arg20 : memref<!tpu.dma_semaphore, #tpu.memory_space<semaphore_mem>>) src(%dma_wait3A_300 : memref<1000000xf32, #tpu.memory_space<hbm>>) dst(%dma_wait3A_296 : memref<128xf32, #tpu.memory_space<vmem>>)
    %dma_wait3A_301 = arith.constant 256 : i32
    %dma_wait3A_302 = tpu.memref_slice %arg17[%dma_wait3A_301] : memref<512xf32, #tpu.memory_space<vmem>> -> memref<128xf32, #tpu.memory_space<vmem>>
    %dma_wait3A_303 = arith.constant 256 : i32
    %dma_wait3A_304 = tpu.memref_slice %arg11[%dma_wait3A_303] : memref<512xi32, #tpu.memory_space<vmem>> -> memref<128xi32, #tpu.memory_space<vmem>>
    %dma_wait3A_305 = arith.constant 0 : i32
    %dma_wait3A_306 = tpu.memref_slice %arg8[%dma_wait3A_305] : memref<1000000xf32, #tpu.memory_space<hbm>> -> memref<1000000xf32, #tpu.memory_space<hbm>>
    tpu.wait_indirect_dma semaphore(%arg20 : memref<!tpu.dma_semaphore, #tpu.memory_space<semaphore_mem>>) src(%dma_wait3A_306 : memref<1000000xf32, #tpu.memory_space<hbm>>) dst(%dma_wait3A_302 : memref<128xf32, #tpu.memory_space<vmem>>)
    %dma_wait3A_307 = arith.constant 384 : i32
    %dma_wait3A_308 = tpu.memref_slice %arg17[%dma_wait3A_307] : memref<512xf32, #tpu.memory_space<vmem>> -> memref<128xf32, #tpu.memory_space<vmem>>
    %dma_wait3A_309 = arith.constant 384 : i32
    %dma_wait3A_310 = tpu.memref_slice %arg11[%dma_wait3A_309] : memref<512xi32, #tpu.memory_space<vmem>> -> memref<128xi32, #tpu.memory_space<vmem>>
    %dma_wait3A_311 = arith.constant 0 : i32
    %dma_wait3A_312 = tpu.memref_slice %arg8[%dma_wait3A_311] : memref<1000000xf32, #tpu.memory_space<hbm>> -> memref<1000000xf32, #tpu.memory_space<hbm>>
    tpu.wait_indirect_dma semaphore(%arg20 : memref<!tpu.dma_semaphore, #tpu.memory_space<semaphore_mem>>) src(%dma_wait3A_312 : memref<1000000xf32, #tpu.memory_space<hbm>>) dst(%dma_wait3A_308 : memref<128xf32, #tpu.memory_space<vmem>>)
    %dma_wait3A_313 = arith.constant 0 : i32
    %dma_wait3A_314 = tpu.memref_slice %arg18[%dma_wait3A_313] : memref<512xf32, #tpu.memory_space<vmem>> -> memref<128xf32, #tpu.memory_space<vmem>>
    %dma_wait3A_315 = arith.constant 0 : i32
    %dma_wait3A_316 = tpu.memref_slice %arg12[%dma_wait3A_315] : memref<512xi32, #tpu.memory_space<vmem>> -> memref<128xi32, #tpu.memory_space<vmem>>
    %dma_wait3A_317 = arith.constant 0 : i32
    %dma_wait3A_318 = tpu.memref_slice %arg8[%dma_wait3A_317] : memref<1000000xf32, #tpu.memory_space<hbm>> -> memref<1000000xf32, #tpu.memory_space<hbm>>
    tpu.wait_indirect_dma semaphore(%arg20 : memref<!tpu.dma_semaphore, #tpu.memory_space<semaphore_mem>>) src(%dma_wait3A_318 : memref<1000000xf32, #tpu.memory_space<hbm>>) dst(%dma_wait3A_314 : memref<128xf32, #tpu.memory_space<vmem>>)
    %dma_wait3A_319 = arith.constant 128 : i32
    %dma_wait3A_320 = tpu.memref_slice %arg18[%dma_wait3A_319] : memref<512xf32, #tpu.memory_space<vmem>> -> memref<128xf32, #tpu.memory_space<vmem>>
    %dma_wait3A_321 = arith.constant 128 : i32
    %dma_wait3A_322 = tpu.memref_slice %arg12[%dma_wait3A_321] : memref<512xi32, #tpu.memory_space<vmem>> -> memref<128xi32, #tpu.memory_space<vmem>>
    %dma_wait3A_323 = arith.constant 0 : i32
    %dma_wait3A_324 = tpu.memref_slice %arg8[%dma_wait3A_323] : memref<1000000xf32, #tpu.memory_space<hbm>> -> memref<1000000xf32, #tpu.memory_space<hbm>>
    tpu.wait_indirect_dma semaphore(%arg20 : memref<!tpu.dma_semaphore, #tpu.memory_space<semaphore_mem>>) src(%dma_wait3A_324 : memref<1000000xf32, #tpu.memory_space<hbm>>) dst(%dma_wait3A_320 : memref<128xf32, #tpu.memory_space<vmem>>)
    %dma_wait3A_325 = arith.constant 256 : i32
    %dma_wait3A_326 = tpu.memref_slice %arg18[%dma_wait3A_325] : memref<512xf32, #tpu.memory_space<vmem>> -> memref<128xf32, #tpu.memory_space<vmem>>
    %dma_wait3A_327 = arith.constant 256 : i32
    %dma_wait3A_328 = tpu.memref_slice %arg12[%dma_wait3A_327] : memref<512xi32, #tpu.memory_space<vmem>> -> memref<128xi32, #tpu.memory_space<vmem>>
    %dma_wait3A_329 = arith.constant 0 : i32
    %dma_wait3A_330 = tpu.memref_slice %arg8[%dma_wait3A_329] : memref<1000000xf32, #tpu.memory_space<hbm>> -> memref<1000000xf32, #tpu.memory_space<hbm>>
    tpu.wait_indirect_dma semaphore(%arg20 : memref<!tpu.dma_semaphore, #tpu.memory_space<semaphore_mem>>) src(%dma_wait3A_330 : memref<1000000xf32, #tpu.memory_space<hbm>>) dst(%dma_wait3A_326 : memref<128xf32, #tpu.memory_space<vmem>>)
    %dma_wait3A_331 = arith.constant 384 : i32
    %dma_wait3A_332 = tpu.memref_slice %arg18[%dma_wait3A_331] : memref<512xf32, #tpu.memory_space<vmem>> -> memref<128xf32, #tpu.memory_space<vmem>>
    %dma_wait3A_333 = arith.constant 384 : i32
    %dma_wait3A_334 = tpu.memref_slice %arg12[%dma_wait3A_333] : memref<512xi32, #tpu.memory_space<vmem>> -> memref<128xi32, #tpu.memory_space<vmem>>
    %dma_wait3A_335 = arith.constant 0 : i32
    %dma_wait3A_336 = tpu.memref_slice %arg8[%dma_wait3A_335] : memref<1000000xf32, #tpu.memory_space<hbm>> -> memref<1000000xf32, #tpu.memory_space<hbm>>
    tpu.wait_indirect_dma semaphore(%arg20 : memref<!tpu.dma_semaphore, #tpu.memory_space<semaphore_mem>>) src(%dma_wait3A_336 : memref<1000000xf32, #tpu.memory_space<hbm>>) dst(%dma_wait3A_332 : memref<128xf32, #tpu.memory_space<vmem>>)
    %iota3A = tpu.iota {dimensions = array<i32: 0>} : vector<16xi32>
    %scan3A = arith.constant 0 : i32
    %scan3A_337 = arith.constant 0 : i32
    %scan3A_338 = arith.constant 32 : i32
    %scan3A_339 = arith.addi %scan3A_337, %scan3A_338 : i32
    %scan3A_340 = arith.constant 1 : i32
    scf.for %scan3A_342 = %scan3A_337 to %scan3A_339 step %scan3A_340  : i32 {
      %mul3A_343 = arith.constant 16 : i32
      %mul3A_344 = arith.muli %scan3A_342, %mul3A_343 : i32
      %add3A_345 = vector.broadcast %mul3A_344 : i32 to vector<16xi32>
      %add3A_346 = arith.addi %add3A_345, %iota3A : vector<16xi32>
      %mul3A_347 = arith.constant 16 : i32
      %mul3A_348 = arith.muli %scan3A_342, %mul3A_347 : i32
      %get3A = arith.index_cast %mul3A_348 : i32 to index
      %get3A_349 = tpu.vector_load %arg16[%get3A] {strides = array<i32>} : memref<512xf32, #tpu.memory_space<vmem>>, vector<16xf32>,
      %mul3A_350 = arith.constant 16 : i32
      %mul3A_351 = arith.muli %scan3A_342, %mul3A_350 : i32
      %get3A_352 = arith.index_cast %mul3A_351 : i32 to index
      %get3A_353 = tpu.vector_load %arg17[%get3A_352] {strides = array<i32>} : memref<512xf32, #tpu.memory_space<vmem>>, vector<16xf32>,
      %add3A_354 = arith.addf %get3A_349, %get3A_353 : vector<16xf32>
      %mul3A_355 = arith.constant 16 : i32
      %mul3A_356 = arith.muli %scan3A_342, %mul3A_355 : i32
      %get3A_357 = arith.index_cast %mul3A_356 : i32 to index
      %get3A_358 = tpu.vector_load %arg18[%get3A_357] {strides = array<i32>} : memref<512xf32, #tpu.memory_space<vmem>>, vector<16xf32>,
      %sub3A = arith.subf %add3A_354, %get3A_358 : vector<16xf32>
      %broadcast_in_dim3A = arith.constant 0 : i32
      %broadcast_in_dim3A_359 = vector.broadcast %broadcast_in_dim3A : i32 to vector<16xi32>
      %gather3A = tpu.vector_load_idx %arg13[%add3A_346, %broadcast_in_dim3A_359] : memref<512x16xf32, #tpu.memory_space<vmem>>[vector<16xi32>, vector<16xi32>], vector<16xf32>,
      %gather3A_360 = tpu.vector_load_idx %arg14[%add3A_346, %broadcast_in_dim3A_359] : memref<512x16xf32, #tpu.memory_space<vmem>>[vector<16xi32>, vector<16xi32>], vector<16xf32>,
      %gather3A_361 = tpu.vector_load_idx %arg15[%add3A_346, %broadcast_in_dim3A_359] : memref<512x16xf32, #tpu.memory_space<vmem>>[vector<16xi32>, vector<16xi32>], vector<16xf32>,
      %sub3A_362 = arith.subf %gather3A_360, %gather3A_361 : vector<16xf32>
      %mul3A_363 = arith.mulf %gather3A, %sub3A_362 : vector<16xf32>
      %add3A_364 = arith.addf %sub3A, %mul3A_363 : vector<16xf32>
      %broadcast_in_dim3A_365 = arith.constant 1 : i32
      %broadcast_in_dim3A_366 = vector.broadcast %broadcast_in_dim3A_365 : i32 to vector<16xi32>
      %gather3A_367 = tpu.vector_load_idx %arg13[%add3A_346, %broadcast_in_dim3A_366] : memref<512x16xf32, #tpu.memory_space<vmem>>[vector<16xi32>, vector<16xi32>], vector<16xf32>,
      %gather3A_368 = tpu.vector_load_idx %arg14[%add3A_346, %broadcast_in_dim3A_366] : memref<512x16xf32, #tpu.memory_space<vmem>>[vector<16xi32>, vector<16xi32>], vector<16xf32>,
      %gather3A_369 = tpu.vector_load_idx %arg15[%add3A_346, %broadcast_in_dim3A_366] : memref<512x16xf32, #tpu.memory_space<vmem>>[vector<16xi32>, vector<16xi32>], vector<16xf32>,
      %sub3A_370 = arith.subf %gather3A_368, %gather3A_369 : vector<16xf32>
      %mul3A_371 = arith.mulf %gather3A_367, %sub3A_370 : vector<16xf32>
      %add3A_372 = arith.addf %add3A_364, %mul3A_371 : vector<16xf32>
      %broadcast_in_dim3A_373 = arith.constant 2 : i32
      %broadcast_in_dim3A_374 = vector.broadcast %broadcast_in_dim3A_373 : i32 to vector<16xi32>
      %gather3A_375 = tpu.vector_load_idx %arg13[%add3A_346, %broadcast_in_dim3A_374] : memref<512x16xf32, #tpu.memory_space<vmem>>[vector<16xi32>, vector<16xi32>], vector<16xf32>,
      %gather3A_376 = tpu.vector_load_idx %arg14[%add3A_346, %broadcast_in_dim3A_374] : memref<512x16xf32, #tpu.memory_space<vmem>>[vector<16xi32>, vector<16xi32>], vector<16xf32>,
      %gather3A_377 = tpu.vector_load_idx %arg15[%add3A_346, %broadcast_in_dim3A_374] : memref<512x16xf32, #tpu.memory_space<vmem>>[vector<16xi32>, vector<16xi32>], vector<16xf32>,
      %sub3A_378 = arith.subf %gather3A_376, %gather3A_377 : vector<16xf32>
      %mul3A_379 = arith.mulf %gather3A_375, %sub3A_378 : vector<16xf32>
      %add3A_380 = arith.addf %add3A_372, %mul3A_379 : vector<16xf32>
      %broadcast_in_dim3A_381 = arith.constant 3 : i32
      %broadcast_in_dim3A_382 = vector.broadcast %broadcast_in_dim3A_381 : i32 to vector<16xi32>
      %gather3A_383 = tpu.vector_load_idx %arg13[%add3A_346, %broadcast_in_dim3A_382] : memref<512x16xf32, #tpu.memory_space<vmem>>[vector<16xi32>, vector<16xi32>], vector<16xf32>,
      %gather3A_384 = tpu.vector_load_idx %arg14[%add3A_346, %broadcast_in_dim3A_382] : memref<512x16xf32, #tpu.memory_space<vmem>>[vector<16xi32>, vector<16xi32>], vector<16xf32>,
      %gather3A_385 = tpu.vector_load_idx %arg15[%add3A_346, %broadcast_in_dim3A_382] : memref<512x16xf32, #tpu.memory_space<vmem>>[vector<16xi32>, vector<16xi32>], vector<16xf32>,
      %sub3A_386 = arith.subf %gather3A_384, %gather3A_385 : vector<16xf32>
      %mul3A_387 = arith.mulf %gather3A_383, %sub3A_386 : vector<16xf32>
      %add3A_388 = arith.addf %add3A_380, %mul3A_387 : vector<16xf32>
      %broadcast_in_dim3A_389 = arith.constant 4 : i32
      %broadcast_in_dim3A_390 = vector.broadcast %broadcast_in_dim3A_389 : i32 to vector<16xi32>
      %gather3A_391 = tpu.vector_load_idx %arg13[%add3A_346, %broadcast_in_dim3A_390] : memref<512x16xf32, #tpu.memory_space<vmem>>[vector<16xi32>, vector<16xi32>], vector<16xf32>,
      %gather3A_392 = tpu.vector_load_idx %arg14[%add3A_346, %broadcast_in_dim3A_390] : memref<512x16xf32, #tpu.memory_space<vmem>>[vector<16xi32>, vector<16xi32>], vector<16xf32>,
      %gather3A_393 = tpu.vector_load_idx %arg15[%add3A_346, %broadcast_in_dim3A_390] : memref<512x16xf32, #tpu.memory_space<vmem>>[vector<16xi32>, vector<16xi32>], vector<16xf32>,
      %sub3A_394 = arith.subf %gather3A_392, %gather3A_393 : vector<16xf32>
      %mul3A_395 = arith.mulf %gather3A_391, %sub3A_394 : vector<16xf32>
      %add3A_396 = arith.addf %add3A_388, %mul3A_395 : vector<16xf32>
      %broadcast_in_dim3A_397 = arith.constant 5 : i32
      %broadcast_in_dim3A_398 = vector.broadcast %broadcast_in_dim3A_397 : i32 to vector<16xi32>
      %gather3A_399 = tpu.vector_load_idx %arg13[%add3A_346, %broadcast_in_dim3A_398] : memref<512x16xf32, #tpu.memory_space<vmem>>[vector<16xi32>, vector<16xi32>], vector<16xf32>,
      %gather3A_400 = tpu.vector_load_idx %arg14[%add3A_346, %broadcast_in_dim3A_398] : memref<512x16xf32, #tpu.memory_space<vmem>>[vector<16xi32>, vector<16xi32>], vector<16xf32>,
      %gather3A_401 = tpu.vector_load_idx %arg15[%add3A_346, %broadcast_in_dim3A_398] : memref<512x16xf32, #tpu.memory_space<vmem>>[vector<16xi32>, vector<16xi32>], vector<16xf32>,
      %sub3A_402 = arith.subf %gather3A_400, %gather3A_401 : vector<16xf32>
      %mul3A_403 = arith.mulf %gather3A_399, %sub3A_402 : vector<16xf32>
      %add3A_404 = arith.addf %add3A_396, %mul3A_403 : vector<16xf32>
      %broadcast_in_dim3A_405 = arith.constant 6 : i32
      %broadcast_in_dim3A_406 = vector.broadcast %broadcast_in_dim3A_405 : i32 to vector<16xi32>
      %gather3A_407 = tpu.vector_load_idx %arg13[%add3A_346, %broadcast_in_dim3A_406] : memref<512x16xf32, #tpu.memory_space<vmem>>[vector<16xi32>, vector<16xi32>], vector<16xf32>,
      %gather3A_408 = tpu.vector_load_idx %arg14[%add3A_346, %broadcast_in_dim3A_406] : memref<512x16xf32, #tpu.memory_space<vmem>>[vector<16xi32>, vector<16xi32>], vector<16xf32>,
      %gather3A_409 = tpu.vector_load_idx %arg15[%add3A_346, %broadcast_in_dim3A_406] : memref<512x16xf32, #tpu.memory_space<vmem>>[vector<16xi32>, vector<16xi32>], vector<16xf32>,
      %sub3A_410 = arith.subf %gather3A_408, %gather3A_409 : vector<16xf32>
      %mul3A_411 = arith.mulf %gather3A_407, %sub3A_410 : vector<16xf32>
      %add3A_412 = arith.addf %add3A_404, %mul3A_411 : vector<16xf32>
      %broadcast_in_dim3A_413 = arith.constant 7 : i32
      %broadcast_in_dim3A_414 = vector.broadcast %broadcast_in_dim3A_413 : i32 to vector<16xi32>
      %gather3A_415 = tpu.vector_load_idx %arg13[%add3A_346, %broadcast_in_dim3A_414] : memref<512x16xf32, #tpu.memory_space<vmem>>[vector<16xi32>, vector<16xi32>], vector<16xf32>,
      %gather3A_416 = tpu.vector_load_idx %arg14[%add3A_346, %broadcast_in_dim3A_414] : memref<512x16xf32, #tpu.memory_space<vmem>>[vector<16xi32>, vector<16xi32>], vector<16xf32>,
      %gather3A_417 = tpu.vector_load_idx %arg15[%add3A_346, %broadcast_in_dim3A_414] : memref<512x16xf32, #tpu.memory_space<vmem>>[vector<16xi32>, vector<16xi32>], vector<16xf32>,
      %sub3A_418 = arith.subf %gather3A_416, %gather3A_417 : vector<16xf32>
      %mul3A_419 = arith.mulf %gather3A_415, %sub3A_418 : vector<16xf32>
      %add3A_420 = arith.addf %add3A_412, %mul3A_419 : vector<16xf32>
      %broadcast_in_dim3A_421 = arith.constant 8 : i32
      %broadcast_in_dim3A_422 = vector.broadcast %broadcast_in_dim3A_421 : i32 to vector<16xi32>
      %gather3A_423 = tpu.vector_load_idx %arg13[%add3A_346, %broadcast_in_dim3A_422] : memref<512x16xf32, #tpu.memory_space<vmem>>[vector<16xi32>, vector<16xi32>], vector<16xf32>,
      %gather3A_424 = tpu.vector_load_idx %arg14[%add3A_346, %broadcast_in_dim3A_422] : memref<512x16xf32, #tpu.memory_space<vmem>>[vector<16xi32>, vector<16xi32>], vector<16xf32>,
      %gather3A_425 = tpu.vector_load_idx %arg15[%add3A_346, %broadcast_in_dim3A_422] : memref<512x16xf32, #tpu.memory_space<vmem>>[vector<16xi32>, vector<16xi32>], vector<16xf32>,
      %sub3A_426 = arith.subf %gather3A_424, %gather3A_425 : vector<16xf32>
      %mul3A_427 = arith.mulf %gather3A_423, %sub3A_426 : vector<16xf32>
      %add3A_428 = arith.addf %add3A_420, %mul3A_427 : vector<16xf32>
      %broadcast_in_dim3A_429 = arith.constant 9 : i32
      %broadcast_in_dim3A_430 = vector.broadcast %broadcast_in_dim3A_429 : i32 to vector<16xi32>
      %gather3A_431 = tpu.vector_load_idx %arg13[%add3A_346, %broadcast_in_dim3A_430] : memref<512x16xf32, #tpu.memory_space<vmem>>[vector<16xi32>, vector<16xi32>], vector<16xf32>,
      %gather3A_432 = tpu.vector_load_idx %arg14[%add3A_346, %broadcast_in_dim3A_430] : memref<512x16xf32, #tpu.memory_space<vmem>>[vector<16xi32>, vector<16xi32>], vector<16xf32>,
      %gather3A_433 = tpu.vector_load_idx %arg15[%add3A_346, %broadcast_in_dim3A_430] : memref<512x16xf32, #tpu.memory_space<vmem>>[vector<16xi32>, vector<16xi32>], vector<16xf32>,
      %sub3A_434 = arith.subf %gather3A_432, %gather3A_433 : vector<16xf32>
      %mul3A_435 = arith.mulf %gather3A_431, %sub3A_434 : vector<16xf32>
      %add3A_436 = arith.addf %add3A_428, %mul3A_435 : vector<16xf32>
      %broadcast_in_dim3A_437 = arith.constant 10 : i32
      %broadcast_in_dim3A_438 = vector.broadcast %broadcast_in_dim3A_437 : i32 to vector<16xi32>
      %gather3A_439 = tpu.vector_load_idx %arg13[%add3A_346, %broadcast_in_dim3A_438] : memref<512x16xf32, #tpu.memory_space<vmem>>[vector<16xi32>, vector<16xi32>], vector<16xf32>,
      %gather3A_440 = tpu.vector_load_idx %arg14[%add3A_346, %broadcast_in_dim3A_438] : memref<512x16xf32, #tpu.memory_space<vmem>>[vector<16xi32>, vector<16xi32>], vector<16xf32>,
      %gather3A_441 = tpu.vector_load_idx %arg15[%add3A_346, %broadcast_in_dim3A_438] : memref<512x16xf32, #tpu.memory_space<vmem>>[vector<16xi32>, vector<16xi32>], vector<16xf32>,
      %sub3A_442 = arith.subf %gather3A_440, %gather3A_441 : vector<16xf32>
      %mul3A_443 = arith.mulf %gather3A_439, %sub3A_442 : vector<16xf32>
      %add3A_444 = arith.addf %add3A_436, %mul3A_443 : vector<16xf32>
      %broadcast_in_dim3A_445 = arith.constant 11 : i32
      %broadcast_in_dim3A_446 = vector.broadcast %broadcast_in_dim3A_445 : i32 to vector<16xi32>
      %gather3A_447 = tpu.vector_load_idx %arg13[%add3A_346, %broadcast_in_dim3A_446] : memref<512x16xf32, #tpu.memory_space<vmem>>[vector<16xi32>, vector<16xi32>], vector<16xf32>,
      %gather3A_448 = tpu.vector_load_idx %arg14[%add3A_346, %broadcast_in_dim3A_446] : memref<512x16xf32, #tpu.memory_space<vmem>>[vector<16xi32>, vector<16xi32>], vector<16xf32>,
      %gather3A_449 = tpu.vector_load_idx %arg15[%add3A_346, %broadcast_in_dim3A_446] : memref<512x16xf32, #tpu.memory_space<vmem>>[vector<16xi32>, vector<16xi32>], vector<16xf32>,
      %sub3A_450 = arith.subf %gather3A_448, %gather3A_449 : vector<16xf32>
      %mul3A_451 = arith.mulf %gather3A_447, %sub3A_450 : vector<16xf32>
      %add3A_452 = arith.addf %add3A_444, %mul3A_451 : vector<16xf32>
      %broadcast_in_dim3A_453 = arith.constant 12 : i32
      %broadcast_in_dim3A_454 = vector.broadcast %broadcast_in_dim3A_453 : i32 to vector<16xi32>
      %gather3A_455 = tpu.vector_load_idx %arg13[%add3A_346, %broadcast_in_dim3A_454] : memref<512x16xf32, #tpu.memory_space<vmem>>[vector<16xi32>, vector<16xi32>], vector<16xf32>,
      %gather3A_456 = tpu.vector_load_idx %arg14[%add3A_346, %broadcast_in_dim3A_454] : memref<512x16xf32, #tpu.memory_space<vmem>>[vector<16xi32>, vector<16xi32>], vector<16xf32>,
      %gather3A_457 = tpu.vector_load_idx %arg15[%add3A_346, %broadcast_in_dim3A_454] : memref<512x16xf32, #tpu.memory_space<vmem>>[vector<16xi32>, vector<16xi32>], vector<16xf32>,
      %sub3A_458 = arith.subf %gather3A_456, %gather3A_457 : vector<16xf32>
      %mul3A_459 = arith.mulf %gather3A_455, %sub3A_458 : vector<16xf32>
      %add3A_460 = arith.addf %add3A_452, %mul3A_459 : vector<16xf32>
      %broadcast_in_dim3A_461 = arith.constant 13 : i32
      %broadcast_in_dim3A_462 = vector.broadcast %broadcast_in_dim3A_461 : i32 to vector<16xi32>
      %gather3A_463 = tpu.vector_load_idx %arg13[%add3A_346, %broadcast_in_dim3A_462] : memref<512x16xf32, #tpu.memory_space<vmem>>[vector<16xi32>, vector<16xi32>], vector<16xf32>,
      %gather3A_464 = tpu.vector_load_idx %arg14[%add3A_346, %broadcast_in_dim3A_462] : memref<512x16xf32, #tpu.memory_space<vmem>>[vector<16xi32>, vector<16xi32>], vector<16xf32>,
      %gather3A_465 = tpu.vector_load_idx %arg15[%add3A_346, %broadcast_in_dim3A_462] : memref<512x16xf32, #tpu.memory_space<vmem>>[vector<16xi32>, vector<16xi32>], vector<16xf32>,
      %sub3A_466 = arith.subf %gather3A_464, %gather3A_465 : vector<16xf32>
      %mul3A_467 = arith.mulf %gather3A_463, %sub3A_466 : vector<16xf32>
      %add3A_468 = arith.addf %add3A_460, %mul3A_467 : vector<16xf32>
      %broadcast_in_dim3A_469 = arith.constant 14 : i32
      %broadcast_in_dim3A_470 = vector.broadcast %broadcast_in_dim3A_469 : i32 to vector<16xi32>
      %gather3A_471 = tpu.vector_load_idx %arg13[%add3A_346, %broadcast_in_dim3A_470] : memref<512x16xf32, #tpu.memory_space<vmem>>[vector<16xi32>, vector<16xi32>], vector<16xf32>,
      %gather3A_472 = tpu.vector_load_idx %arg14[%add3A_346, %broadcast_in_dim3A_470] : memref<512x16xf32, #tpu.memory_space<vmem>>[vector<16xi32>, vector<16xi32>], vector<16xf32>,
      %gather3A_473 = tpu.vector_load_idx %arg15[%add3A_346, %broadcast_in_dim3A_470] : memref<512x16xf32, #tpu.memory_space<vmem>>[vector<16xi32>, vector<16xi32>], vector<16xf32>,
      %sub3A_474 = arith.subf %gather3A_472, %gather3A_473 : vector<16xf32>
      %mul3A_475 = arith.mulf %gather3A_471, %sub3A_474 : vector<16xf32>
      %add3A_476 = arith.addf %add3A_468, %mul3A_475 : vector<16xf32>
      %broadcast_in_dim3A_477 = arith.constant 15 : i32
      %broadcast_in_dim3A_478 = vector.broadcast %broadcast_in_dim3A_477 : i32 to vector<16xi32>
      %gather3A_479 = tpu.vector_load_idx %arg13[%add3A_346, %broadcast_in_dim3A_478] : memref<512x16xf32, #tpu.memory_space<vmem>>[vector<16xi32>, vector<16xi32>], vector<16xf32>,
      %gather3A_480 = tpu.vector_load_idx %arg14[%add3A_346, %broadcast_in_dim3A_478] : memref<512x16xf32, #tpu.memory_space<vmem>>[vector<16xi32>, vector<16xi32>], vector<16xf32>,
      %gather3A_481 = tpu.vector_load_idx %arg15[%add3A_346, %broadcast_in_dim3A_478] : memref<512x16xf32, #tpu.memory_space<vmem>>[vector<16xi32>, vector<16xi32>], vector<16xf32>,
      %sub3A_482 = arith.subf %gather3A_480, %gather3A_481 : vector<16xf32>
      %mul3A_483 = arith.mulf %gather3A_479, %sub3A_482 : vector<16xf32>
      %add3A_484 = arith.addf %add3A_476, %mul3A_483 : vector<16xf32>
      %mul3A_485 = arith.constant 16 : i32
      %mul3A_486 = arith.muli %scan3A_342, %mul3A_485 : i32
      %swap3A = arith.index_cast %mul3A_486 : i32 to index
      %swap3A_487 = tpu.vector_load %arg19[%swap3A] {strides = array<i32>} : memref<512xf32, #tpu.memory_space<vmem>>, vector<16xf32>,
      tpu.vector_store %arg19[%swap3A], %add3A_484 {strides = array<i32>} : memref<512xf32, #tpu.memory_space<vmem>>, vector<16xf32>,
    }
    %scan3A_341 = arith.constant 32 : i32
    "tpu.region"() ({
      %run_scoped3A = tpu.sem_alloc : memref<!tpu.dma_semaphore, #tpu.memory_space<semaphore_mem>>
      %dma_start3A_342 = tpu.memref_slice %arg9[%mul3A_2] : memref<16384xf32, #tpu.memory_space<hbm>> -> memref<512xf32, #tpu.memory_space<hbm>>
      %dma_start3A_343 = tpu.memref_slice %arg9[%mul3A_2] : memref<16384xf32, #tpu.memory_space<hbm>> -> memref<512xf32, #tpu.memory_space<hbm>>
      tpu.enqueue_dma source(%arg19 : memref<512xf32, #tpu.memory_space<vmem>>) target(%dma_start3A_343 : memref<512xf32, #tpu.memory_space<hbm>>) target_semaphore(%run_scoped3A : memref<!tpu.dma_semaphore, #tpu.memory_space<semaphore_mem>>)
      %dma_wait3A_344 = tpu.memref_slice %arg9[%mul3A_2] : memref<16384xf32, #tpu.memory_space<hbm>> -> memref<512xf32, #tpu.memory_space<hbm>>
      %dma_wait3A_345 = tpu.memref_slice %arg9[%mul3A_2] : memref<16384xf32, #tpu.memory_space<hbm>> -> memref<512xf32, #tpu.memory_space<hbm>>
      tpu.wait_dma2 semaphore(%run_scoped3A : memref<!tpu.dma_semaphore, #tpu.memory_space<semaphore_mem>>) src(%arg19 : memref<512xf32, #tpu.memory_space<vmem>>) dst(%dma_wait3A_345 : memref<512xf32, #tpu.memory_space<hbm>>)
      tpu.yield
    }) : () -> ()
    return
  }
}

</mosaic_0001>

<sc_bundles>
// kernel: kernel.3.cloned.1.call-start
scs
__scs_entry_jumppad:
0x0: {  	(pc) =	sbr.rel $0x88, $3  }
0x1: {  	(tag) =	ssettag $0x0;
	lr =	simm.s32 $0x1  }
0x2: {  	[smem:$0x3F9A] =	sst lr;
	_ =	strace $0xD0000000  }
0x3: {  	_ = 	snop  }
0x4: {  	_ = 	snop  }
0x5: {  	_ = 	snop  }
0x6: {  	_ = 	snop  }
0x7: {  	_ = 	snop  }
__scs_overlays_trampoline_lowered:
0x8: {  	[smem:$0x3FA9] =	sst s0  }
0x9: {  	[smem:$0x3FAA] =	sst s1  }
0xa: {  	[smem:$0x3FAB] =	sst s2  }
0xb: {  	[smem:$0x3FAC] =	sst s3  }
0xc: {  	[smem:$0x3FAD] =	sst s4  }
0xd: {  	[smem:$0x3FAE] =	sst s5  }
0xe: {  	[smem:$0x3FAF] =	sst s6  }
0xf: {  	[smem:$0x3FB0] =	sst s7  }
0x10: {  	[smem:$0x3FB1] =	sst s8  }
0x11: {  	[smem:$0x3FB2] =	sst s9;
	s0 =	simm.s32 @!p0 $0x0  }
0x12: {  	s1 =	sld [smem:$0x3F98];
	s0 =	simm.s32 @p0 $0x1  }
0x13: {  	[smem:$0x3FB3] =	sst s0;
	s0 =	simm.s32 @!p1 $0x0  }
0x14: {  	s2 =	sld [smem:$0x3F97];
	s0 =	simm.s32 @p1 $0x1  }
0x15: {  	[smem:$0x3FB4] =	sst s0;
	s0 =	simm.s32 @!p2 $0x0  }
0x16: {  	s3 =	sld [smem:$0x3FDB];
	s0 =	simm.s32 @p2 $0x1  }
0x17: {  	s4 =	simm.s32 $0x1BF5;
	[smem:$0x3FB6] =	sst s0  }
0x18: {  	s0 =	sld [smem:$0x3F99];
	_ =	swait.ge [sflag:s4], $0x0  }
0x19: {  	s7 =	sld [smem:$0x3F9A]  }
0x1a: {  	s8 =	sadd.s32 $0xFFFFE003, lr  }
0x1b: {  	s9 =	sadd.s32 $0xFFFFFEF7, lr;
	s5 =	simm.s32 $0xFFFFFFFF;
	p2 =	slt.u32 s8, $0xFFFFF086  }
0x1c: {  	p1 =	slt.u32 s9, $0xF7A;
	s5 =	simm.s32 @!p2 $0x0  }
0x1d: {  	s5 =	simm.s32 @p1 $0x1;
	p0 =	seq.s32 s7, s2  }
0x1e: {  	s7 =	smul.u32 @!p0 $0xF7A, s2;
	p2 =	seq.s32 @!p0 s5, $0x0  }
0x1f: {  	s9 =	smul.u32 $0xF7A, s1;
	s8 =	simm.s32 @!p0 $0x1BF5;
	p2 =	por !p2, p0  }
0x20: {  	[sflag:s8] =	ssyncset.s32 @!p0 $0xFFFFF086;
	s6 =	sadd.s32 @!p0 s3, s7;
	s7 =	simm.s32 @!p0 $0x108  }
0x21: {  	s3 =	sadd.s32 s3, s9;
	s6 =	sadd.s32 @!p0 $0x88, s6;
	s7 =	simm.s32 @p2 $0x1082  }
0x22: {  	[simem:s7], [sflag:s8] =	dma.local @!p0 [hbm:s6], $0xF7A  }
0x23: {  	s9 =	sor.u32 $0xD0000000, s2;
	s6 =	simm.s32 $0x108;
	_ =	swait.ge @!p0 [sflag:s8], $0x0  }
0x24: {  	s3 =	sadd.s32 $0x88, s3;
	s6 =	simm.s32 @!p1 $0x1082;
	[sflag:s4] =	ssyncset.s32 $0xFFFFF086  }
0x25: {  	[simem:s6], [sflag:s4] =	dma.local [hbm:s3], $0xF7A  }
0x26: {  	[smem:$0x3F9A] =	sst s1;
	(tag) =	ssettag s2;
	_ =	strace s9  }
0x27: {  	s1 =	sld [smem:$0x3FAA]  }
0x28: {  	s2 =	sld [smem:$0x3FAB]  }
0x29: {  	s4 =	sld [smem:$0x3FAD]  }
0x2a: {  	p0 =	seq.s32 s5, $0x0;
	s5 =	sld [smem:$0x3FAE]  }
0x2b: {  	s6 =	sld [smem:$0x3FAF]  }
0x2c: {  	s7 =	sld [smem:$0x3FB0]  }
0x2d: {  	s3 =	simm.s32 $0x108;
	s8 =	sld [smem:$0x3FB1]  }
0x2e: {  	s3 =	simm.s32 @!p0 $0x1082;
	s9 =	sld [smem:$0x3FB2]  }
0x2f: {  	lr =	sadd.s32 s0, s3;
	s0 =	sld [smem:$0x3FA9]  }
0x30: {  	s3 =	sld [smem:$0x3FAC]  }
0x31: {  	[smem:$0x3FB5] =	sst s10  }
0x32: {  	s10 =	sld [smem:$0x3FB3];
	_ =	sdelay $0x3  }
0x33: {  	p0 =	seq.s32 s10, $0x1;
	s10 =	sld [smem:$0x3FB5];
	_ =	sdelay $0x3  }
0x34: {  	[smem:$0x3FB5] =	sst s10  }
0x35: {  	s10 =	sld [smem:$0x3FB4];
	_ =	sdelay $0x3  }
0x36: {  	p1 =	seq.s32 s10, $0x1;
	s10 =	sld [smem:$0x3FB5];
	_ =	sdelay $0x3  }
0x37: {  	[smem:$0x3FB5] =	sst s10  }
0x38: {  	s10 =	sld [smem:$0x3FB6]  }
0x39: {  	_ = 	snop;
	(pc) =	sbr.ind lr, $3  }
0x3a: {  	_ = 	snop  }
0x3b: {  	_ = 	snop  }
0x3c: {  	p2 =	seq.s32 s10, $0x1;
	s10 =	sld [smem:$0x3FB5]  }
0x3d: {  	_ =	shalt  }
0x3e: {  	_ =	shalt  }
0x3f: {  	_ =	shalt  }
0x40: {  	_ =	shalt  }
0x41: {  	_ =	shalt  }
0x42: {  	_ =	shalt  }
0x43: {  	_ =	shalt  }
0x44: {  	_ =	shalt  }
0x45: {  	_ =	shalt  }
0x46: {  	_ =	shalt  }
0x47: {  	_ =	shalt  }
0x48: {  	_ =	shalt  }
0x49: {  	_ =	shalt  }
0x4a: {  	_ =	shalt  }
0x4b: {  	_ =	shalt  }
0x4c: {  	_ =	shalt  }
0x4d: {  	_ =	shalt  }
0x4e: {  	_ =	shalt  }
0x4f: {  	_ =	shalt  }
0x50: {  	_ =	shalt  }
0x51: {  	_ =	shalt  }
0x52: {  	_ =	shalt  }
0x53: {  	_ =	shalt  }
0x54: {  	_ =	shalt  }
0x55: {  	_ =	shalt  }
0x56: {  	_ =	shalt  }
0x57: {  	_ =	shalt  }
0x58: {  	_ =	shalt  }
0x59: {  	_ =	shalt  }
0x5a: {  	_ =	shalt  }
0x5b: {  	_ =	shalt  }
0x5c: {  	_ =	shalt  }
0x5d: {  	_ =	shalt  }
0x5e: {  	_ =	shalt  }
0x5f: {  	_ =	shalt  }
0x60: {  	_ =	shalt  }
0x61: {  	_ =	shalt  }
0x62: {  	_ =	shalt  }
0x63: {  	_ =	shalt  }
0x64: {  	_ =	shalt  }
0x65: {  	_ =	shalt  }
0x66: {  	_ =	shalt  }
0x67: {  	_ =	shalt  }
0x68: {  	_ =	shalt  }
0x69: {  	_ =	shalt  }
0x6a: {  	_ =	shalt  }
0x6b: {  	_ =	shalt  }
0x6c: {  	_ =	shalt  }
0x6d: {  	_ =	shalt  }
0x6e: {  	_ =	shalt  }
0x6f: {  	_ =	shalt  }
0x70: {  	_ =	shalt  }
0x71: {  	_ =	shalt  }
0x72: {  	_ =	shalt  }
0x73: {  	_ =	shalt  }
0x74: {  	_ =	shalt  }
0x75: {  	_ =	shalt  }
0x76: {  	_ =	shalt  }
0x77: {  	_ =	shalt  }
0x78: {  	_ =	shalt  }
0x79: {  	_ =	shalt  }
0x7a: {  	_ =	shalt  }
0x7b: {  	_ =	shalt  }
0x7c: {  	_ =	shalt  }
0x7d: {  	_ =	shalt  }
0x7e: {  	_ =	shalt  }
0x7f: {  	_ =	shalt  }
0x80: {  	_ =	shalt  }
0x81: {  	_ =	shalt  }
0x82: {  	_ =	shalt  }
0x83: {  	_ =	shalt  }
0x84: {  	_ =	shalt  }
0x85: {  	_ =	shalt  }
0x86: {  	_ =	shalt  }
0x87: {  	_ =	shalt  }
.Lfunc_end0:
.L_simem_size_0:
called_computation_lowered:
.L_overlay_start_0:
0x88: {  	s2 =	sld [smem:$0x3FD9]  }
0x89: {  	s3 =	sld [smem:$0x3FFE];
	_ =	sdelay $0x1  }
0x8a: {  	s1 =	srdreg.scid  }
0x8b: {  	s0 =	sand.u32 $0x1, s1  }
0x8c: {  	s17 =	sshll.u32 s0, $0xA;
	s2 =	sadd.s32 s3, s2  }
0x8d: {  	s2 =	sadd.s32 s2, s17  }
0x8e: {  	[smem:$0x3FC1] =	sst s2  }
0x8f: {  	_ = 	snop  }
0x90: {  	s2 =	sld [smem:$0x3FC9]  }
0x91: {  	s18 =	sld [smem:$0x3FC8]  }
0x92: {  	s4 =	sld [smem:$0x3FC7]  }
0x93: {  	s5 =	sld [smem:$0x3FD0];
	(tm) =	ssettm $0x1  }
0x94: {  	s6 =	sld [smem:$0x3FFB];
	_ =	sdelay $0x3  }
0x95: {  	_ =	strace s6  }
0x96: {  	s6 =	sld [smem:$0x3FFC];
	_ =	sdelay $0x3  }
0x97: {  	_ =	strace s6  }
0x98: {  	s6 =	sld [smem:$0x3FFD];
	_ =	sdelay $0x3  }
0x99: {  	_ =	strace s6  }
0x9a: {  	_ =	strace $0x8FFFFFFF  }
0x9b: {  	s19 =	sld [smem:$0x3FDB];
	_ =	sdelay $0x1  }
0x9c: {  	s7 =	simm.s32 $_scs_section_size  }
0x9d: {  	s8 =	simm.s32 $_size__tile_overlayer_lowered;
	s9 =	simm.s32 $_tile_overlayer_lowered  }
0x9e: {  	s22 =	simm.s32 $0x1BFF;
	s21 =	sshll.u32 s9, $0x1;
	s6 =	sadd.s32 s7, s19  }
0x9f: {  	s10 =	simm.s32 $0x0;
	s20 =	sshll.u32 s8, $0x1;
	s8 =	sadd.s32 s21, s6  }
0xa0: {  	[timem:s10], [sflag:s22] =	dma.local [hbm:s8], s20  }
0xa1: {  	_ =	swait.ge [sflag:s22], s20  }
0xa2: {  	s7 =	ssub.s32 $0x0, s20;
	[sflag:s22] =	ssyncset.done $0x0  }
0xa3: {  	[sflag:s22] =	ssyncadd.s32 s7;
	_ =	sdelay $0x1  }
0xa4: {  	s23 =	simm.s32 $0x1B8B  }
0xa5: {  	_ =	swait.ge [sflag:s23], $0x1  }
0xa6: {  	[sflag:s23] =	ssyncset.done $0x0  }
0xa7: {  	s25 =	simm.s32 $0x1B8E;
	s24 =	sld [smem:$0x3FFE];
	[sflag:s23] =	ssyncadd.s32 $0xFFFFFFFF  }
0xa8: {  	s26 =	simm.s32 $execute0_lowered;
	[smem:$0x3FD2] =	sst s25  }
0xa9: {  	s8 =	sshll.u32 s26, $0x1;
	_ =	strace $0x80000046;
	[dreg:$0x1] =	wrdreg $0xFFFFFFFF  }
0xaa: {  	s28 =	simm.s32 $_size_execute0_lowered;
	s6 =	sadd.s32 s6, s8;
	[dreg:$0x0] =	wrdreg $0x0  }
0xab: {  	s8 =	sshll.u32 s28, $0x1;
	[dreg:$0x2] =	wrdreg s6  }
0xac: {  	[dreg:$0x3] =	wrdreg s8  }
0xad: {  	[dreg:$0x4] =	wrdreg $0xC0  }
0xae: {  	_ =	task [dreg:s10], $0x5FFFF  }
0xaf: {  	[dreg:$0x1] =	wrdreg $0xFFFFFFFF  }
0xb0: {  	[dreg:$0x0] =	wrdreg $0x60  }
0xb1: {  	[dreg:$0x2] =	wrdreg s2  }
0xb2: {  	[dreg:$0x3] =	wrdreg s18  }
0xb3: {  	[dreg:$0x4] =	wrdreg s4  }
0xb4: {  	[dreg:$0x5] =	wrdreg s24  }
0xb5: {  	[dreg:$0x6] =	wrdreg s5  }
0xb6: {  	[dreg:$0x7] =	wrdreg $0x9  }
0xb7: {  	_ =	task.clear_ibuf [dreg:s10], $0x8FFFF;
	_ =	strace $0x90000046  }
0xb8: {  	s29 =	simm.s32 $0x9;
	_ =	strace $0x80000048  }
0xb9: {  	_ =	swait.ge [sflag:s29], $0x1  }
0xba: {  	[sflag:s29] =	ssyncadd.s32 $0xFFFFFFFF  }
0xbb: {  	_ =	strace $0x90000048  }
0xbc: {  	_ =	sfence  }
0xbd: {  	s30 =	sld [smem:$0x0];
	_ =	sdelay $0x2  }
0xbe: {  	s31 =	sshll.u32 s1, $0xD;
	s1 =	sshrl.u32 s1, $0x2  }
0xbf: {  	s3 =	sand.u32 $0x4000, s31;
	s1 =	sadd.s32 s1, s30  }
0xc0: {  	s0 =	sor.u32 s3, s0;
	s1 =	sshll.u32 s1, $0x11  }
0xc1: {  	s0 =	sor.u32 s1, s0  }
0xc2: {  	s0 =	sadd.s32 $0x8F2B, s0  }
0xc3: {  	[sflag:s0] =	ssyncadd.remote.s32 $0x1  }
0xc4: {  	_ =	sfence.sel $0xFFFF  }
0xc5: {  	[dreg:$0x0] =	wrdreg $0xFFFFFFFF;
	(pc) =	sbr.abs _section_cstart, $3  }
0xc6: {  	[dreg:$0x1] =	wrdreg $0xFFFFFFFF  }
0xc7: {  	_ =	task.clear_ibuf [dreg:s10], $0x2FFFF;
	_ =	strace $0x9FFFFFFF  }
0xc8: {  	(tm) =	ssettm $0x7FFFFFFF  }
0xc9: {  	_ =	shalt  }
tec
execute0_lowered:
.L_overlay_start_1:
0x0: {  	(tag) =	ssettag $0x1  }
0x1: {  	s0 =	rddreg [dreg:$0x0]  }
0x2: {  	s3 =	rddreg [dreg:$0x1]  }
0x3: {  	s7 =	rddreg [dreg:$0x2]  }
0x4: {  	s1 =	rddreg [dreg:$0x3]  }
0x5: {  	s8 =	rddreg [dreg:$0x4];
	s2 =	simm.s32 $0x0  }
0x6: {  	s6 =	srdreg.scid;
	s11 =	stileid.u32;
	s13 =	simm.s32 $0x200  }
0x7: {  	s14 =	simm.s32 $0x400;
	s15 =	simm.s32 $0x80;
	s16 =	simm.s32 $0x600  }
0x8: {  	s18 =	simm.s32 $0x100;
	s20 =	simm.s32 $0x180;
	s22 =	simm.s32 $0x2600  }
0x9: {  	s23 =	simm.s32 $0x280;
	s25 =	simm.s32 $0x300;
	s28 =	simm.s32 $0x380  }
0xa: {  	s30 =	simm.s32 $0x4600;
	s31 =	simm.s32 $0x480;
	s19 =	simm.s32 $0x580  }
0xb: {  	s17 =	simm.s32 $0x6C00;
	s21 =	simm.s32 $0x0;
	[smem:$0x7FF] =	sst s2  }
0xc: {  	s4 =	sadd.s32 $0x112AA00, s1;
	s5 =	sadd.s32 $0xF42400, s1;
	s6 =	sand.u32 $0x1, s6  }
0xd: {  	s11 =	sshll.u32 s11, $0x6;
	s9 =	ssub.s32 $0x2, s6;
	s10 =	sshll.u32 s6, $0xA  }
0xe: {  	_ =	strace $0x80000047;
	s12 =	sshrl.u32 s9, $0x1;
	s10 =	sor.u32 s11, s10  }
0xf: {  	s6 =	sadd.s32 $0x1EA00, s1;
	s26 =	ssub.s32 s9, s12;
	s0 =	sadd.s32 s0, s10  }
0x10: {  	s29 =	sadd.s32 s3, s10;
	s9 =	sadd.s32 s7, s10;
	s10 =	sadd.s32 s8, s10  }
0x11: {  	v0 =	vlaneseq.u32;
	s12 =	simm.s32 $0x2;
	s3 =	simm.s32 $0x500;
	[dreg:$0x6] =	wrdreg s0  }
0x12: {  	v0 =	vmul.u32 $0x10, v0;
	[dreg:$0x7] =	wrdreg s29;
	s11 =	smax.u32 s26, $0x1;
	s0 =	simm.s32 $0x1  }
.LBB2_1:
0x13: {  	s7 =	rddreg [dreg:$0x6]  }
0x14: {  	[tilespmem:s2], [sflag:$0x2] =	stream.linear.gather [hbm4b:s7+s2], $0x200, $0x38;
	[tilespmem:$0x6E00] =	vst v63  }
0x15: {  	_ =	swait.ge [sflag:s12], $0x200  }
0x16: {  	[sflag:s12] =	ssyncset.done $0x0  }
0x17: {  	s26 =	rddreg [dreg:$0x7];
	[sflag:s12] =	ssyncadd.s32 $0xFFFFFE00  }
0x18: {  	[tilespmem:s13], [sflag:$0x2] =	stream.linear.gather [hbm4b:s26+s2], $0x200, $0x38;
	[tilespmem:$0x6E00] =	vst v63  }
0x19: {  	_ =	swait.ge [sflag:s12], $0x200  }
0x1a: {  	[sflag:s12] =	ssyncset.done $0x0  }
0x1b: {  	[sflag:s12] =	ssyncadd.s32 $0xFFFFFE00  }
0x1c: {  	[tilespmem:s14], [sflag:$0x2] =	stream.linear.gather [hbm4b:s9+s2], $0x200, $0x38;
	[tilespmem:$0x6E00] =	vst v63  }
0x1d: {  	_ =	swait.ge [sflag:s12], $0x200  }
0x1e: {  	[sflag:s12] =	ssyncset.done $0x0  }
0x1f: {  	[sflag:s12] =	ssyncadd.s32 $0xFFFFFE00  }
0x20: {  	[tilespmem:s16], [sflag:$0x1] =	stream.indirect.gather [hbm4b:s4+s15], $0x10, s2, s15, $0xb8;
	[tilespmem:$0x6E00] =	vst v63  }
0x21: {  	s8 =	simm.s32 $0xE00  }
0x22: {  	[tilespmem:s8], [sflag:$0x1] =	stream.indirect.gather [hbm4b:s4+s15], $0x10, s15, s15, $0xb8;
	[tilespmem:$0x6E00] =	vst v63  }
0x23: {  	s24 =	simm.s32 $0x1600  }
0x24: {  	[tilespmem:s24], [sflag:$0x1] =	stream.indirect.gather [hbm4b:s4+s15], $0x10, s18, s15, $0xb8;
	[tilespmem:$0x6E00] =	vst v63  }
0x25: {  	s26 =	simm.s32 $0x1E00  }
0x26: {  	[tilespmem:s26], [sflag:$0x1] =	stream.indirect.gather [hbm4b:s4+s15], $0x10, s20, s15, $0xb8;
	[tilespmem:$0x6E00] =	vst v63  }
0x27: {  	_ = 	snop  }
0x28: {  	[tilespmem:s22], [sflag:$0x1] =	stream.indirect.gather [hbm4b:s5+s15], $0x10, s13, s15, $0xb8;
	[tilespmem:$0x6E00] =	vst v63  }
0x29: {  	s8 =	simm.s32 $0x2E00  }
0x2a: {  	[tilespmem:s8], [sflag:$0x1] =	stream.indirect.gather [hbm4b:s5+s15], $0x10, s23, s15, $0xb8;
	[tilespmem:$0x6E00] =	vst v63  }
0x2b: {  	s24 =	simm.s32 $0x3600  }
0x2c: {  	[tilespmem:s24], [sflag:$0x1] =	stream.indirect.gather [hbm4b:s5+s15], $0x10, s25, s15, $0xb8;
	[tilespmem:$0x6E00] =	vst v63  }
0x2d: {  	s26 =	simm.s32 $0x3E00  }
0x2e: {  	[tilespmem:s26], [sflag:$0x1] =	stream.indirect.gather [hbm4b:s5+s15], $0x10, s28, s15, $0xb8;
	[tilespmem:$0x6E00] =	vst v63  }
0x2f: {  	_ = 	snop  }
0x30: {  	[tilespmem:s30], [sflag:$0x1] =	stream.indirect.gather [hbm4b:s5+s15], $0x10, s14, s15, $0xb8;
	[tilespmem:$0x6E00] =	vst v63  }
0x31: {  	s8 =	simm.s32 $0x4E00  }
0x32: {  	[tilespmem:s8], [sflag:$0x1] =	stream.indirect.gather [hbm4b:s5+s15], $0x10, s31, s15, $0xb8;
	[tilespmem:$0x6E00] =	vst v63  }
0x33: {  	s24 =	simm.s32 $0x5600  }
0x34: {  	[tilespmem:s24], [sflag:$0x1] =	stream.indirect.gather [hbm4b:s5+s15], $0x10, s3, s15, $0xb8;
	[tilespmem:$0x6E00] =	vst v63  }
0x35: {  	s26 =	simm.s32 $0x5E00  }
0x36: {  	[tilespmem:s26], [sflag:$0x1] =	stream.indirect.gather [hbm4b:s5+s15], $0x10, s19, s15, $0xb8;
	[tilespmem:$0x6E00] =	vst v63  }
0x37: {  	s24 =	simm.s32 $0x6600  }
0x38: {  	[tilespmem:s24], [sflag:$0x1] =	stream.indirect.gather [hbm4b:s6+s15], $0x1, s2, s15, $0xb8;
	[tilespmem:$0x6E00] =	vst v63  }
0x39: {  	s8 =	simm.s32 $0x6680  }
0x3a: {  	[tilespmem:s8], [sflag:$0x1] =	stream.indirect.gather [hbm4b:s6+s15], $0x1, s15, s15, $0xb8;
	[tilespmem:$0x6E00] =	vst v63  }
0x3b: {  	s26 =	simm.s32 $0x6700  }
0x3c: {  	[tilespmem:s26], [sflag:$0x1] =	stream.indirect.gather [hbm4b:s6+s15], $0x1, s18, s15, $0xb8;
	[tilespmem:$0x6E00] =	vst v63  }
0x3d: {  	s8 =	simm.s32 $0x6780  }
0x3e: {  	[tilespmem:s8], [sflag:$0x1] =	stream.indirect.gather [hbm4b:s6+s15], $0x1, s20, s15, $0xb8;
	[tilespmem:$0x6E00] =	vst v63  }
0x3f: {  	s29 =	simm.s32 $0x6800  }
0x40: {  	[tilespmem:s29], [sflag:$0x1] =	stream.indirect.gather [hbm4b:s1+s15], $0x1, s13, s15, $0xb8;
	[tilespmem:$0x6E00] =	vst v63  }
0x41: {  	s26 =	simm.s32 $0x6880  }
0x42: {  	[tilespmem:s26], [sflag:$0x1] =	stream.indirect.gather [hbm4b:s1+s15], $0x1, s23, s15, $0xb8;
	[tilespmem:$0x6E00] =	vst v63  }
0x43: {  	s8 =	simm.s32 $0x6900  }
0x44: {  	[tilespmem:s8], [sflag:$0x1] =	stream.indirect.gather [hbm4b:s1+s15], $0x1, s25, s15, $0xb8;
	[tilespmem:$0x6E00] =	vst v63  }
0x45: {  	s26 =	simm.s32 $0x6980  }
0x46: {  	[tilespmem:s26], [sflag:$0x1] =	stream.indirect.gather [hbm4b:s1+s15], $0x1, s28, s15, $0xb8;
	[tilespmem:$0x6E00] =	vst v63  }
0x47: {  	s26 =	simm.s32 $0x6A00  }
0x48: {  	[tilespmem:s26], [sflag:$0x1] =	stream.indirect.gather [hbm4b:s1+s15], $0x1, s14, s15, $0xb8;
	[tilespmem:$0x6E00] =	vst v63  }
0x49: {  	s8 =	simm.s32 $0x6A80  }
0x4a: {  	[tilespmem:s8], [sflag:$0x1] =	stream.indirect.gather [hbm4b:s1+s15], $0x1, s31, s15, $0xb8;
	[tilespmem:$0x6E00] =	vst v63  }
0x4b: {  	s8 =	simm.s32 $0x6B00  }
0x4c: {  	[tilespmem:s8], [sflag:$0x1] =	stream.indirect.gather [hbm4b:s1+s15], $0x1, s3, s15, $0xb8;
	[tilespmem:$0x6E00] =	vst v63  }
0x4d: {  	s8 =	simm.s32 $0x6B80  }
0x4e: {  	[tilespmem:s8], [sflag:$0x1] =	stream.indirect.gather [hbm4b:s1+s15], $0x1, s19, s15, $0xb8;
	[tilespmem:$0x6E00] =	vst v63  }
0x4f: {  	_ =	swait.ge [sflag:s0], $0x800  }
0x50: {  	[sflag:s0] =	ssyncset.done $0x0  }
0x51: {  	[sflag:s0] =	ssyncadd.s32 $0xFFFFF800  }
0x52: {  	_ =	swait.ge [sflag:s0], $0x800  }
0x53: {  	[sflag:s0] =	ssyncset.done $0x0  }
0x54: {  	[sflag:s0] =	ssyncadd.s32 $0xFFFFF800  }
0x55: {  	_ =	swait.ge [sflag:s0], $0x800  }
0x56: {  	[sflag:s0] =	ssyncset.done $0x0  }
0x57: {  	[sflag:s0] =	ssyncadd.s32 $0xFFFFF800  }
0x58: {  	_ =	swait.ge [sflag:s0], $0x800  }
0x59: {  	[sflag:s0] =	ssyncset.done $0x0  }
0x5a: {  	[sflag:s0] =	ssyncadd.s32 $0xFFFFF800  }
0x5b: {  	_ =	swait.ge [sflag:s0], $0x800  }
0x5c: {  	[sflag:s0] =	ssyncset.done $0x0  }
0x5d: {  	[sflag:s0] =	ssyncadd.s32 $0xFFFFF800  }
0x5e: {  	_ =	swait.ge [sflag:s0], $0x800  }
0x5f: {  	[sflag:s0] =	ssyncset.done $0x0  }
0x60: {  	[sflag:s0] =	ssyncadd.s32 $0xFFFFF800  }
0x61: {  	_ =	swait.ge [sflag:s0], $0x800  }
0x62: {  	[sflag:s0] =	ssyncset.done $0x0  }
0x63: {  	[sflag:s0] =	ssyncadd.s32 $0xFFFFF800  }
0x64: {  	_ =	swait.ge [sflag:s0], $0x800  }
0x65: {  	[sflag:s0] =	ssyncset.done $0x0  }
0x66: {  	[sflag:s0] =	ssyncadd.s32 $0xFFFFF800  }
0x67: {  	_ =	swait.ge [sflag:s0], $0x800  }
0x68: {  	[sflag:s0] =	ssyncset.done $0x0  }
0x69: {  	[sflag:s0] =	ssyncadd.s32 $0xFFFFF800  }
0x6a: {  	_ =	swait.ge [sflag:s0], $0x800  }
0x6b: {  	[sflag:s0] =	ssyncset.done $0x0  }
0x6c: {  	[sflag:s0] =	ssyncadd.s32 $0xFFFFF800  }
0x6d: {  	_ =	swait.ge [sflag:s0], $0x800  }
0x6e: {  	[sflag:s0] =	ssyncset.done $0x0  }
0x6f: {  	[sflag:s0] =	ssyncadd.s32 $0xFFFFF800  }
0x70: {  	_ =	swait.ge [sflag:s0], $0x800  }
0x71: {  	[sflag:s0] =	ssyncset.done $0x0  }
0x72: {  	[sflag:s0] =	ssyncadd.s32 $0xFFFFF800  }
0x73: {  	_ =	swait.ge [sflag:s0], $0x80  }
0x74: {  	[sflag:s0] =	ssyncset.done $0x0  }
0x75: {  	[sflag:s0] =	ssyncadd.s32 $0xFFFFFF80  }
0x76: {  	_ =	swait.ge [sflag:s0], $0x80  }
0x77: {  	[sflag:s0] =	ssyncset.done $0x0  }
0x78: {  	[sflag:s0] =	ssyncadd.s32 $0xFFFFFF80  }
0x79: {  	_ =	swait.ge [sflag:s0], $0x80  }
0x7a: {  	[sflag:s0] =	ssyncset.done $0x0  }
0x7b: {  	[sflag:s0] =	ssyncadd.s32 $0xFFFFFF80  }
0x7c: {  	_ =	swait.ge [sflag:s0], $0x80  }
0x7d: {  	[sflag:s0] =	ssyncset.done $0x0  }
0x7e: {  	[sflag:s0] =	ssyncadd.s32 $0xFFFFFF80  }
0x7f: {  	_ =	swait.ge [sflag:s0], $0x80  }
0x80: {  	[sflag:s0] =	ssyncset.done $0x0  }
0x81: {  	[sflag:s0] =	ssyncadd.s32 $0xFFFFFF80  }
0x82: {  	_ =	swait.ge [sflag:s0], $0x80  }
0x83: {  	[sflag:s0] =	ssyncset.done $0x0  }
0x84: {  	[sflag:s0] =	ssyncadd.s32 $0xFFFFFF80  }
0x85: {  	_ =	swait.ge [sflag:s0], $0x80  }
0x86: {  	[sflag:s0] =	ssyncset.done $0x0  }
0x87: {  	[sflag:s0] =	ssyncadd.s32 $0xFFFFFF80  }
0x88: {  	_ =	swait.ge [sflag:s0], $0x80  }
0x89: {  	[sflag:s0] =	ssyncset.done $0x0  }
0x8a: {  	[sflag:s0] =	ssyncadd.s32 $0xFFFFFF80  }
0x8b: {  	_ =	swait.ge [sflag:s0], $0x80  }
0x8c: {  	[sflag:s0] =	ssyncset.done $0x0  }
0x8d: {  	[sflag:s0] =	ssyncadd.s32 $0xFFFFFF80  }
0x8e: {  	_ =	swait.ge [sflag:s0], $0x80  }
0x8f: {  	v1 =	vmov s2;
	[sflag:s0] =	ssyncset.done $0x0  }
0x90: {  	v1 =	vshll.u32 v1, $0x4;
	[sflag:s0] =	ssyncadd.s32 $0xFFFFFF80  }
0x91: {  	v1 =	vor.u32 v0, v1;
	_ =	swait.ge [sflag:s0], $0x80  }
0x92: {  	v3 =	vor.u32 $0xD, v1;
	[sflag:s0] =	ssyncset.done $0x0  }
0x93: {  	v4 =	vor.u32 $0xC, v1;
	[sflag:s0] =	ssyncadd.s32 $0xFFFFFF80  }
0x94: {  	v5 =	vor.u32 $0xB, v1;
	_ =	swait.ge [sflag:s0], $0x80  }
0x95: {  	v6 =	vor.u32 $0xA, v1;
	[sflag:s0] =	ssyncset.done $0x0  }
0x96: {  	v7 =	vor.u32 $0x9, v1;
	[sflag:s0] =	ssyncadd.s32 $0xFFFFFF80  }
0x97: {  	v9 =	vor.u32 $0x8, v1;
	v10 =	vld.idx.msk [tilespmem:v3+s16+$0x0], $0xffff  }
0x98: {  	v11 =	vor.u32 $0x7, v1;
	v12 =	vld.idx.msk [tilespmem:v4+s16+$0x0], $0xffff  }
0x99: {  	v13 =	vor.u32 $0x6, v1;
	v14 =	vld.idx.msk [tilespmem:v5+s16+$0x0], $0xffff  }
0x9a: {  	v15 =	vor.u32 $0x5, v1;
	v16 =	vld.idx.msk [tilespmem:v6+s16+$0x0], $0xffff  }
0x9b: {  	v17 =	vor.u32 $0x4, v1;
	v18 =	vld.idx.msk [tilespmem:v7+s16+$0x0], $0xffff  }
0x9c: {  	v19 =	vor.u32 $0x3, v1;
	v20 =	vld.idx.msk [tilespmem:v9+s16+$0x0], $0xffff  }
0x9d: {  	v21 =	vor.u32 $0x2, v1;
	v22 =	vld.idx.msk [tilespmem:v11+s16+$0x0], $0xffff  }
0x9e: {  	v23 =	vor.u32 $0x1, v1;
	v24 =	vld.idx.msk [tilespmem:v13+s16+$0x0], $0xffff  }
0x9f: {  	v25 =	vld.idx.msk [tilespmem:v15+s16+$0x0], $0xffff  }
0xa0: {  	v26 =	vld.idx.msk [tilespmem:v17+s16+$0x0], $0xffff  }
0xa1: {  	v27 =	vld.idx.msk [tilespmem:v19+s16+$0x0], $0xffff  }
0xa2: {  	v28 =	vld.idx.msk [tilespmem:v21+s16+$0x0], $0xffff  }
0xa3: {  	v29 =	vld.idx.msk [tilespmem:v23+s16+$0x0], $0xffff  }
0xa4: {  	v30 =	vld.idx.msk [tilespmem:v1+s16+$0x0], $0xffff  }
0xa5: {  	v31 =	vld.idx.msk [tilespmem:v23+s22+$0x0], $0xffff  }
0xa6: {  	v32 =	vld [tilespmem:s29+$0x0]  }
0xa7: {  	v33 =	vld.idx.msk [tilespmem:v1+s22+$0x0], $0xffff  }
0xa8: {  	v34 =	vld.idx.msk [tilespmem:v1+s30+$0x0], $0xffff  }
0xa9: {  	v35 =	vld [tilespmem:s24+$0x0]  }
0xaa: {  	v23 =	vld.idx.msk [tilespmem:v23+s30+$0x0], $0xffff  }
0xab: {  	v36 =	vld [tilespmem:s26+$0x0]  }
0xac: {  	v37 =	vld.idx.msk [tilespmem:v21+s22+$0x0], $0xffff  }
0xad: {  	v21 =	vld.idx.msk [tilespmem:v21+s30+$0x0], $0xffff  }
0xae: {  	v38 =	vld.idx.msk [tilespmem:v19+s22+$0x0], $0xffff  }
0xaf: {  	v19 =	vld.idx.msk [tilespmem:v19+s30+$0x0], $0xffff;
	v32 =	vadd.f32 v32, v35;
	v33 =	vsub.f32 v33, v34  }
0xb0: {  	v63 =	vld.idx.msk [tilespmem:v17+s22+$0x0], $0xffff  }
0xb1: {  	v17 =	vld.idx.msk [tilespmem:v17+s30+$0x0], $0xffff;
	v23 =	vsub.f32 v31, v23;
	v32 =	vsub.f32 v32, v36;
	v30 =	vmul.f32 v33, v30  }
0xb2: {  	v31 =	vld.idx.msk [tilespmem:v15+s22+$0x0], $0xffff  }
0xb3: {  	v21 =	vsub.f32 v37, v21;
	v15 =	vld.idx.msk [tilespmem:v15+s30+$0x0], $0xffff;
	v23 =	vmul.f32 v23, v29;
	v30 =	vadd.f32 v30, v32  }
0xb4: {  	v29 =	vld.idx.msk [tilespmem:v13+s22+$0x0], $0xffff  }
0xb5: {  	v19 =	vsub.f32 v38, v19;
	v21 =	vmul.f32 v21, v28;
	v13 =	vld.idx.msk [tilespmem:v13+s30+$0x0], $0xffff;
	v23 =	vadd.f32 v23, v30  }
0xb6: {  	v28 =	vld.idx.msk [tilespmem:v11+s22+$0x0], $0xffff  }
0xb7: {  	v17 =	vsub.f32 v63, v17;
	v19 =	vmul.f32 v19, v27;
	v11 =	vld.idx.msk [tilespmem:v11+s30+$0x0], $0xffff;
	v21 =	vadd.f32 v21, v23  }
0xb8: {  	v23 =	vld.idx.msk [tilespmem:v9+s22+$0x0], $0xffff  }
0xb9: {  	v17 =	vmul.f32 v17, v26;
	v15 =	vsub.f32 v31, v15;
	v9 =	vld.idx.msk [tilespmem:v9+s30+$0x0], $0xffff;
	v19 =	vadd.f32 v19, v21  }
0xba: {  	v21 =	vld.idx.msk [tilespmem:v7+s22+$0x0], $0xffff  }
0xbb: {  	v15 =	vmul.f32 v15, v25;
	v13 =	vsub.f32 v29, v13;
	v7 =	vld.idx.msk [tilespmem:v7+s30+$0x0], $0xffff;
	v17 =	vadd.f32 v17, v19  }
0xbc: {  	v19 =	vld.idx.msk [tilespmem:v6+s22+$0x0], $0xffff  }
0xbd: {  	v11 =	vsub.f32 v28, v11;
	v13 =	vmul.f32 v13, v24;
	v6 =	vld.idx.msk [tilespmem:v6+s30+$0x0], $0xffff;
	v15 =	vadd.f32 v15, v17  }
0xbe: {  	v2 =	vor.u32 $0xE, v1;
	v17 =	vld.idx.msk [tilespmem:v5+s22+$0x0], $0xffff  }
0xbf: {  	v11 =	vmul.f32 v11, v22;
	v9 =	vsub.f32 v23, v9;
	v5 =	vld.idx.msk [tilespmem:v5+s30+$0x0], $0xffff;
	v13 =	vadd.f32 v13, v15  }
0xc0: {  	v15 =	vld.idx.msk [tilespmem:v4+s22+$0x0], $0xffff  }
0xc1: {  	v9 =	vmul.f32 v9, v20;
	v7 =	vsub.f32 v21, v7;
	v4 =	vld.idx.msk [tilespmem:v4+s30+$0x0], $0xffff;
	v11 =	vadd.f32 v11, v13  }
0xc2: {  	v1 =	vor.u32 $0xF, v1;
	v13 =	vld.idx.msk [tilespmem:v3+s22+$0x0], $0xffff  }
0xc3: {  	v7 =	vmul.f32 v7, v18;
	v6 =	vsub.f32 v19, v6;
	v3 =	vld.idx.msk [tilespmem:v3+s30+$0x0], $0xffff;
	v9 =	vadd.f32 v9, v11  }
0xc4: {  	v8 =	vld.idx.msk [tilespmem:v2+s16+$0x0], $0xffff  }
0xc5: {  	v6 =	vmul.f32 v6, v16;
	v5 =	vsub.f32 v17, v5;
	v11 =	vld.idx.msk [tilespmem:v2+s22+$0x0], $0xffff;
	v7 =	vadd.f32 v7, v9  }
0xc6: {  	v2 =	vld.idx.msk [tilespmem:v2+s30+$0x0], $0xffff  }
0xc7: {  	v5 =	vmul.f32 v5, v14;
	v4 =	vsub.f32 v15, v4;
	v9 =	vld.idx.msk [tilespmem:v1+s22+$0x0], $0xffff;
	v6 =	vadd.f32 v6, v7  }
0xc8: {  	v3 =	vsub.f32 v13, v3;
	v7 =	vld.idx.msk [tilespmem:v1+s30+$0x0], $0xffff  }
0xc9: {  	v4 =	vmul.f32 v4, v12;
	v5 =	vadd.f32 v5, v6  }
0xca: {  	s8 =	simm.s32 $0x10;
	v1 =	vld.idx.msk [tilespmem:v1+s16+$0x0], $0xffff;
	v3 =	vmul.f32 v3, v10  }
0xcb: {  	v2 =	vsub.f32 v11, v2;
	v6 =	vmov s8;
	v4 =	vadd.f32 v4, v5  }
0xcc: {  	v5 =	vshll.u32 v6, $0x4  }
0xcd: {  	v7 =	vsub.f32 v9, v7;
	v3 =	vadd.f32 v3, v4;
	v4 =	vmul.f32 v2, v8  }
0xce: {  	v6 =	vor.u32 v0, v5  }
0xcf: {  	v2 =	vor.u32 $0xE, v6;
	v1 =	vmul.f32 v7, v1;
	v3 =	vadd.f32 v4, v3  }
0xd0: {  	v5 =	vor.u32 $0xD, v6  }
0xd1: {  	v8 =	vor.u32 $0xC, v6;
	v1 =	vadd.f32 v1, v3  }
0xd2: {  	v10 =	vor.u32 $0xB, v6  }
0xd3: {  	v12 =	vor.u32 $0xA, v6;
	[tilespmem:s17+$0x0] =	vst v1  }
0xd4: {  	v14 =	vor.u32 $0x9, v6;
	v1 =	vld.idx.msk [tilespmem:v2+s16+$0x0], $0xffff  }
0xd5: {  	v15 =	vor.u32 $0x8, v6;
	v3 =	vld.idx.msk [tilespmem:v5+s16+$0x0], $0xffff  }
0xd6: {  	v18 =	vor.u32 $0x7, v6;
	v4 =	vld.idx.msk [tilespmem:v8+s16+$0x0], $0xffff  }
0xd7: {  	v20 =	vor.u32 $0x6, v6;
	v7 =	vld.idx.msk [tilespmem:v10+s16+$0x0], $0xffff  }
0xd8: {  	v22 =	vor.u32 $0x5, v6;
	v9 =	vld.idx.msk [tilespmem:v12+s16+$0x0], $0xffff  }
0xd9: {  	v24 =	vor.u32 $0x4, v6;
	v11 =	vld.idx.msk [tilespmem:v14+s16+$0x0], $0xffff  }
0xda: {  	v26 =	vor.u32 $0x3, v6;
	v13 =	vld.idx.msk [tilespmem:v15+s16+$0x0], $0xffff  }
0xdb: {  	v27 =	vor.u32 $0x2, v6;
	v16 =	vld.idx.msk [tilespmem:v18+s16+$0x0], $0xffff  }
0xdc: {  	v28 =	vor.u32 $0x1, v6;
	v17 =	vld.idx.msk [tilespmem:v20+s16+$0x0], $0xffff  }
0xdd: {  	v19 =	vld.idx.msk [tilespmem:v22+s16+$0x0], $0xffff  }
0xde: {  	v21 =	vld.idx.msk [tilespmem:v24+s16+$0x0], $0xffff  }
0xdf: {  	v23 =	vld.idx.msk [tilespmem:v26+s16+$0x0], $0xffff  }
0xe0: {  	s7 =	simm.s32 $0x6C00;
	s8 =	simm.s32 $0x20;
	v25 =	vld.idx.msk [tilespmem:v27+s16+$0x0], $0xffff  }
.LBB2_2:
0xe1: {  	p0 =	sne.s32 s8, $0x1F0;
	v29 =	vld.idx.msk [tilespmem:v28+s16+$0x0], $0xffff  }
0xe2: {  	v30 =	vld.idx.msk [tilespmem:v27+s22+$0x0], $0xffff  }
0xe3: {  	v31 =	vld.idx.msk [tilespmem:v6+s16+$0x0], $0xffff  }
0xe4: {  	s29 =	sadd.s32 $0x10, s29;
	v32 =	vld.idx.msk [tilespmem:v28+s22+$0x0], $0xffff  }
0xe5: {  	v33 =	vld [tilespmem:s29+$0x0]  }
0xe6: {  	v34 =	vld.idx.msk [tilespmem:v6+s22+$0x0], $0xffff  }
0xe7: {  	s24 =	sadd.s32 $0x10, s24;
	v35 =	vld.idx.msk [tilespmem:v6+s30+$0x0], $0xffff  }
0xe8: {  	v36 =	vld [tilespmem:s24+$0x0]  }
0xe9: {  	s26 =	sadd.s32 $0x10, s26;
	v28 =	vld.idx.msk [tilespmem:v28+s30+$0x0], $0xffff  }
0xea: {  	v37 =	vld [tilespmem:s26+$0x0]  }
0xeb: {  	v27 =	vld.idx.msk [tilespmem:v27+s30+$0x0], $0xffff  }
0xec: {  	v38 =	vld.idx.msk [tilespmem:v26+s22+$0x0], $0xffff  }
0xed: {  	v34 =	vsub.f32 v34, v35;
	v33 =	vadd.f32 v33, v36;
	v26 =	vld.idx.msk [tilespmem:v26+s30+$0x0], $0xffff  }
0xee: {  	v35 =	vld.idx.msk [tilespmem:v24+s22+$0x0], $0xffff  }
0xef: {  	v31 =	vmul.f32 v34, v31;
	v28 =	vsub.f32 v32, v28;
	v33 =	vsub.f32 v33, v37;
	v24 =	vld.idx.msk [tilespmem:v24+s30+$0x0], $0xffff  }
0xf0: {  	v32 =	vld.idx.msk [tilespmem:v22+s22+$0x0], $0xffff  }
0xf1: {  	v28 =	vmul.f32 v28, v29;
	v27 =	vsub.f32 v30, v27;
	v31 =	vadd.f32 v31, v33;
	v22 =	vld.idx.msk [tilespmem:v22+s30+$0x0], $0xffff  }
0xf2: {  	v29 =	vld.idx.msk [tilespmem:v20+s22+$0x0], $0xffff  }
0xf3: {  	v25 =	vmul.f32 v27, v25;
	v26 =	vsub.f32 v38, v26;
	v28 =	vadd.f32 v28, v31;
	v20 =	vld.idx.msk [tilespmem:v20+s30+$0x0], $0xffff  }
0xf4: {  	v27 =	vld.idx.msk [tilespmem:v18+s22+$0x0], $0xffff  }
0xf5: {  	v23 =	vmul.f32 v26, v23;
	v24 =	vsub.f32 v35, v24;
	v25 =	vadd.f32 v25, v28;
	v18 =	vld.idx.msk [tilespmem:v18+s30+$0x0], $0xffff  }
0xf6: {  	v26 =	vld.idx.msk [tilespmem:v15+s22+$0x0], $0xffff  }
0xf7: {  	v21 =	vmul.f32 v24, v21;
	v22 =	vsub.f32 v32, v22;
	v23 =	vadd.f32 v23, v25;
	v15 =	vld.idx.msk [tilespmem:v15+s30+$0x0], $0xffff  }
0xf8: {  	v24 =	vld.idx.msk [tilespmem:v14+s22+$0x0], $0xffff  }
0xf9: {  	v19 =	vmul.f32 v22, v19;
	v20 =	vsub.f32 v29, v20;
	v21 =	vadd.f32 v21, v23;
	v14 =	vld.idx.msk [tilespmem:v14+s30+$0x0], $0xffff  }
0xfa: {  	v22 =	vld.idx.msk [tilespmem:v12+s22+$0x0], $0xffff  }
0xfb: {  	v17 =	vmul.f32 v20, v17;
	v18 =	vsub.f32 v27, v18;
	v19 =	vadd.f32 v19, v21;
	v12 =	vld.idx.msk [tilespmem:v12+s30+$0x0], $0xffff  }
0xfc: {  	v20 =	vld.idx.msk [tilespmem:v10+s22+$0x0], $0xffff  }
0xfd: {  	v16 =	vmul.f32 v18, v16;
	v15 =	vsub.f32 v26, v15;
	v17 =	vadd.f32 v17, v19;
	v10 =	vld.idx.msk [tilespmem:v10+s30+$0x0], $0xffff  }
0xfe: {  	v6 =	vor.u32 $0xF, v6;
	v18 =	vld.idx.msk [tilespmem:v8+s22+$0x0], $0xffff  }
0xff: {  	v13 =	vmul.f32 v15, v13;
	v14 =	vsub.f32 v24, v14;
	v16 =	vadd.f32 v16, v17;
	v8 =	vld.idx.msk [tilespmem:v8+s30+$0x0], $0xffff  }
0x100: {  	v15 =	vld.idx.msk [tilespmem:v5+s22+$0x0], $0xffff  }
0x101: {  	v11 =	vmul.f32 v14, v11;
	v12 =	vsub.f32 v22, v12;
	v13 =	vadd.f32 v13, v16;
	v5 =	vld.idx.msk [tilespmem:v5+s30+$0x0], $0xffff  }
0x102: {  	v14 =	vld.idx.msk [tilespmem:v2+s22+$0x0], $0xffff  }
0x103: {  	v9 =	vmul.f32 v12, v9;
	v10 =	vsub.f32 v20, v10;
	v11 =	vadd.f32 v11, v13;
	v2 =	vld.idx.msk [tilespmem:v2+s30+$0x0], $0xffff  }
0x104: {  	v12 =	vld.idx.msk [tilespmem:v6+s22+$0x0], $0xffff  }
0x105: {  	v7 =	vmul.f32 v10, v7;
	v8 =	vsub.f32 v18, v8;
	v9 =	vadd.f32 v9, v11;
	v10 =	vld.idx.msk [tilespmem:v6+s30+$0x0], $0xffff;
	_ =	sdelay $0x1  }
0x106: {  	v4 =	vmul.f32 v8, v4;
	v5 =	vsub.f32 v15, v5;
	v7 =	vadd.f32 v7, v9;
	v8 =	vld.idx.msk [tilespmem:v6+s16+$0x0], $0xffff  }
0x107: {  	v6 =	vmov s8  }
0x108: {  	v3 =	vmul.f32 v5, v3;
	v2 =	vsub.f32 v14, v2;
	v4 =	vadd.f32 v4, v7  }
0x109: {  	v5 =	vshll.u32 v6, $0x4  }
0x10a: {  	v1 =	vmul.f32 v2, v1;
	v3 =	vadd.f32 v3, v4;
	v4 =	vsub.f32 v12, v10  }
0x10b: {  	v6 =	vor.u32 v0, v5  }
0x10c: {  	v2 =	vor.u32 $0xE, v6;
	v1 =	vadd.f32 v1, v3;
	v3 =	vmul.f32 v4, v8  }
0x10d: {  	v5 =	vor.u32 $0xD, v6  }
0x10e: {  	v8 =	vor.u32 $0xC, v6;
	v1 =	vadd.f32 v3, v1  }
0x10f: {  	s7 =	sadd.s32 $0x10, s7;
	v10 =	vor.u32 $0xB, v6  }
0x110: {  	v12 =	vor.u32 $0xA, v6;
	[tilespmem:s7+$0x0] =	vst v1  }
0x111: {  	v14 =	vor.u32 $0x9, v6;
	v1 =	vld.idx.msk [tilespmem:v2+s16+$0x0], $0xffff  }
0x112: {  	v15 =	vor.u32 $0x8, v6;
	v3 =	vld.idx.msk [tilespmem:v5+s16+$0x0], $0xffff  }
0x113: {  	v18 =	vor.u32 $0x7, v6;
	v4 =	vld.idx.msk [tilespmem:v8+s16+$0x0], $0xffff  }
0x114: {  	v20 =	vor.u32 $0x6, v6;
	v7 =	vld.idx.msk [tilespmem:v10+s16+$0x0], $0xffff  }
0x115: {  	v22 =	vor.u32 $0x5, v6;
	v9 =	vld.idx.msk [tilespmem:v12+s16+$0x0], $0xffff  }
0x116: {  	v24 =	vor.u32 $0x4, v6;
	v11 =	vld.idx.msk [tilespmem:v14+s16+$0x0], $0xffff  }
0x117: {  	v26 =	vor.u32 $0x3, v6;
	v13 =	vld.idx.msk [tilespmem:v15+s16+$0x0], $0xffff  }
0x118: {  	v27 =	vor.u32 $0x2, v6;
	v16 =	vld.idx.msk [tilespmem:v18+s16+$0x0], $0xffff  }
.Ltmp0:
0x119: {  	v28 =	vor.u32 $0x1, v6;
	v17 =	vld.idx.msk [tilespmem:v20+s16+$0x0], $0xffff;
	(pc) =	sbr.rel @p0 .LBB2_2-.Ltmp0, $4  }
0x11a: {  	v19 =	vld.idx.msk [tilespmem:v22+s16+$0x0], $0xffff  }
0x11b: {  	v21 =	vld.idx.msk [tilespmem:v24+s16+$0x0], $0xffff  }
0x11c: {  	v23 =	vld.idx.msk [tilespmem:v26+s16+$0x0], $0xffff  }
0x11d: {  	s8 =	sadd.s32 $0x10, s8;
	v25 =	vld.idx.msk [tilespmem:v27+s16+$0x0], $0xffff  }
0x11e: {  	_ =	sdelay $0x3  }
0x11f: {  	v29 =	vld.idx.msk [tilespmem:v28+s16+$0x0], $0xffff  }
0x120: {  	v30 =	vld.idx.msk [tilespmem:v6+s16+$0x0], $0xffff  }
0x121: {  	v31 =	vld.idx.msk [tilespmem:v28+s22+$0x0], $0xffff  }
0x122: {  	v33 =	vld.idx.msk [tilespmem:v6+s22+$0x0], $0xffff  }
0x123: {  	s8 =	sadd.s32 $0x10, s29;
	v34 =	vld.idx.msk [tilespmem:v6+s30+$0x0], $0xffff  }
0x124: {  	s24 =	sadd.s32 $0x10, s24;
	v32 =	vld [tilespmem:s8+$0x0]  }
0x125: {  	v35 =	vld [tilespmem:s24+$0x0]  }
0x126: {  	v62 =	vld.idx.msk [tilespmem:v28+s30+$0x0], $0xffff;
	s29 =	sadd.s32 $0x10, s26  }
0x127: {  	v36 =	vld [tilespmem:s29+$0x0]  }
0x128: {  	v37 =	vld.idx.msk [tilespmem:v27+s22+$0x0], $0xffff  }
0x129: {  	v63 =	vld.idx.msk [tilespmem:v27+s30+$0x0], $0xffff  }
0x12a: {  	v38 =	vld.idx.msk [tilespmem:v26+s22+$0x0], $0xffff;
	v33 =	vsub.f32 v33, v34;
	v32 =	vadd.f32 v32, v35  }
0x12b: {  	v39 =	vld.idx.msk [tilespmem:v26+s30+$0x0], $0xffff  }
0x12c: {  	v40 =	vld.idx.msk [tilespmem:v24+s22+$0x0], $0xffff;
	v28 =	vsub.f32 v31, v62;
	v30 =	vmul.f32 v33, v30;
	v32 =	vsub.f32 v32, v36  }
0x12d: {  	v41 =	vld.idx.msk [tilespmem:v24+s30+$0x0], $0xffff  }
0x12e: {  	v42 =	vld.idx.msk [tilespmem:v22+s22+$0x0], $0xffff;
	v27 =	vsub.f32 v37, v63;
	v28 =	vmul.f32 v28, v29;
	v30 =	vadd.f32 v30, v32  }
0x12f: {  	v43 =	vld.idx.msk [tilespmem:v22+s30+$0x0], $0xffff  }
0x130: {  	v44 =	vld.idx.msk [tilespmem:v20+s22+$0x0], $0xffff;
	v26 =	vsub.f32 v38, v39;
	v25 =	vmul.f32 v27, v25;
	v28 =	vadd.f32 v28, v30  }
0x131: {  	v45 =	vld.idx.msk [tilespmem:v20+s30+$0x0], $0xffff  }
0x132: {  	v46 =	vld.idx.msk [tilespmem:v18+s22+$0x0], $0xffff;
	v24 =	vsub.f32 v40, v41;
	v23 =	vmul.f32 v26, v23;
	v25 =	vadd.f32 v25, v28  }
0x133: {  	v47 =	vld.idx.msk [tilespmem:v18+s30+$0x0], $0xffff  }
0x134: {  	v48 =	vld.idx.msk [tilespmem:v15+s22+$0x0], $0xffff;
	v22 =	vsub.f32 v42, v43;
	v21 =	vmul.f32 v24, v21;
	v23 =	vadd.f32 v23, v25  }
0x135: {  	v49 =	vld.idx.msk [tilespmem:v15+s30+$0x0], $0xffff  }
0x136: {  	v50 =	vld.idx.msk [tilespmem:v14+s22+$0x0], $0xffff;
	v20 =	vsub.f32 v44, v45;
	v19 =	vmul.f32 v22, v19;
	v21 =	vadd.f32 v21, v23  }
0x137: {  	v51 =	vld.idx.msk [tilespmem:v14+s30+$0x0], $0xffff  }
0x138: {  	v52 =	vld.idx.msk [tilespmem:v12+s22+$0x0], $0xffff;
	v18 =	vsub.f32 v46, v47;
	v17 =	vmul.f32 v20, v17;
	v19 =	vadd.f32 v19, v21  }
0x139: {  	v53 =	vld.idx.msk [tilespmem:v12+s30+$0x0], $0xffff  }
0x13a: {  	v54 =	vld.idx.msk [tilespmem:v10+s22+$0x0], $0xffff;
	v15 =	vsub.f32 v48, v49;
	v16 =	vmul.f32 v18, v16;
	v17 =	vadd.f32 v17, v19  }
0x13b: {  	v55 =	vld.idx.msk [tilespmem:v10+s30+$0x0], $0xffff  }
0x13c: {  	v56 =	vld.idx.msk [tilespmem:v8+s22+$0x0], $0xffff;
	v14 =	vsub.f32 v50, v51;
	v13 =	vmul.f32 v15, v13;
	v16 =	vadd.f32 v16, v17  }
0x13d: {  	v57 =	vor.u32 $0xF, v6;
	v58 =	vld.idx.msk [tilespmem:v8+s30+$0x0], $0xffff  }
0x13e: {  	v59 =	vld.idx.msk [tilespmem:v5+s22+$0x0], $0xffff;
	v12 =	vsub.f32 v52, v53;
	v11 =	vmul.f32 v14, v11;
	v13 =	vadd.f32 v13, v16  }
0x13f: {  	v60 =	vld.idx.msk [tilespmem:v5+s30+$0x0], $0xffff  }
0x140: {  	v61 =	vld.idx.msk [tilespmem:v2+s22+$0x0], $0xffff;
	v10 =	vsub.f32 v54, v55;
	v9 =	vmul.f32 v12, v9;
	v11 =	vadd.f32 v11, v13  }
0x141: {  	v2 =	vld.idx.msk [tilespmem:v2+s30+$0x0], $0xffff  }
0x142: {  	v62 =	vld.idx.msk [tilespmem:v57+s22+$0x0], $0xffff;
	v8 =	vsub.f32 v56, v58;
	v7 =	vmul.f32 v10, v7;
	v9 =	vadd.f32 v9, v11  }
0x143: {  	v63 =	vld.idx.msk [tilespmem:v57+s30+$0x0], $0xffff  }
0x144: {  	v5 =	vsub.f32 v59, v60;
	v4 =	vmul.f32 v8, v4;
	v7 =	vadd.f32 v7, v9  }
0x145: {  	v6 =	vld.idx.msk [tilespmem:v57+s16+$0x0], $0xffff  }
0x146: {  	v2 =	vsub.f32 v61, v2;
	v3 =	vmul.f32 v5, v3;
	v4 =	vadd.f32 v4, v7;
	_ =	sdelay $0x1  }
0x147: {  	v1 =	vmul.f32 v2, v1;
	v2 =	vsub.f32 v62, v63;
	v3 =	vadd.f32 v3, v4;
	_ =	sdelay $0x1  }
0x148: {  	v2 =	vmul.f32 v2, v6;
	v1 =	vadd.f32 v1, v3;
	_ =	sdelay $0x1  }
0x149: {  	s21 =	sadd.s32 $0x1, s21;
	v1 =	vadd.f32 v2, v1  }
0x14a: {  	s7 =	sadd.s32 $0x10, s7;
	p0 =	sne.s32 s21, s11  }
.Ltmp1:
0x14b: {  	[tilespmem:s7+$0x0] =	vst v1;
	(pc) =	sbr.rel @p0 .LBB2_1-.Ltmp1, $4  }
0x14c: {  	[hbm4b:s10+s2] =	stream.linear.scatter [tilespmem:s17], [sflag:$0x2], $0x200, $0x38;
	[tilespmem:$0x6E00] =	vst v63  }
0x14d: {  	_ =	swait.ge [sflag:s12], $0x200  }
0x14e: {  	[sflag:s12] =	ssyncset.done $0x0  }
0x14f: {  	[sflag:s12] =	ssyncadd.s32 $0xFFFFFE00  }
0x150: {  	_ =	sfence.sel $0x180000  }
0x151: {  	[bflag:$0x0] =	sbarrier.arrive $0xFFFF  }
0x152: {  	_ =	strace $0x90000047  }
0x153: {  	s0 =	stileid.u32;
	[bflag:$0x2] =	sbarrier.arrive $0xFFFF  }
0x154: {  	p0 =	sne.s32 s0, $0x0;
	s0 =	rddreg [dreg:$0x5]  }
0x155: {  	s0 =	sadd.s32 @!p0 $0x100000, s0  }
0x156: {  	[sflag:s0] =	ssyncadd.tile.s32 @!p0 $0x1;
	_ =	shalt  }
.Lfunc_end2:
_tile_overlayer_lowered:
.L_overlay_start_2:
0x157: {  	(tag) =	ssettag $0x2  }
0x158: {  	s0 =	rddreg [dreg:$0x0];
	s2 =	stileid.u32  }
0x159: {  	s1 =	rddreg [dreg:$0x1];
	p0 =	sne.s32 s2, $0x0  }
0x15a: {  	s3 =	rddreg [dreg:$0x2];
	[bflag:$0x3] =	sbarrier.arrive $0xFFFF;
	s2 =	simm.s32 @!p0 $0x1C02  }
0x15b: {  	[timem:s3], [sflag:s2] =	dma.local @!p0 [hbm:s0], s1  }
0x15c: {  	s0 =	simm.s32 @!p0 $0x2  }
0x15d: {  	_ =	swait.ge @!p0 [sflag:s0], s1  }
0x15e: {  	s1 =	ssub.s32 @!p0 $0x0, s1;
	[sflag:s0] =	ssyncset.done @!p0 $0x0  }
0x15f: {  	[sflag:s0] =	ssyncadd.s32 @!p0 s1  }
0x160: {  	[bflag:$0x3] =	sbarrier.arrive $0xFFFF  }
0x161: {  	_ =	shalt  }

</sc_bundles>
